<compile_context>
chip_gen: v7x
topology: tpu7x:2x2x1
jax: 0.10.2.dev20260603
libtpu: 0.0.44.dev20260713+nightly
codegen_flags: <defaults>
</compile_context>

<pallas_src>
import functools

import jax
import jax.numpy as jnp
import numpy as np
from jax import lax
from jax.experimental import pallas as pl
from jax.experimental.pallas import tpu as pltpu
from jax.experimental.pallas import tpu_sc as plsc


def _pos_encoding(max_seq_len, d_model):
    pos = np.arange(max_seq_len, dtype=np.float64)[:, None]
    i = np.arange(d_model, dtype=np.float64)[None, :]
    angle = pos / np.power(10000.0, (2.0 * (np.floor(i / 2.0))) / d_model)
    pe = np.where((np.arange(d_model)[None, :] % 2) == 0, np.sin(angle), np.cos(angle))
    return pe.astype(np.float32)


_NW = 32
_CHUNK = 200
_RING = 4
_SUB = ((0, 128), (128, 72))
_P = 2


@functools.partial(jax.jit, static_argnames=("n_rows", "d"))
def _emb_lookup(tokens_flat, table, pe, *, n_rows, d):
    per_w = n_rows // _NW
    n_chunks = per_w // _CHUNK
    mesh = plsc.VectorSubcoreMesh(core_axis_name="c", subcore_axis_name="s")

    @functools.partial(
        pl.kernel,
        out_type=jax.ShapeDtypeStruct((n_rows, d), jnp.float32),
        mesh=mesh,
        scratch_types=[
            pltpu.VMEM((per_w,), jnp.int32),
            pltpu.VMEM((_CHUNK, d), jnp.float32),
            pltpu.VMEM((_RING, _CHUNK, d), jnp.float32),
            pltpu.SemaphoreType.DMA,
            pltpu.SemaphoreType.DMA,
        ],
        compiler_params=pltpu.CompilerParams(use_tc_tiling_on_sc=False),
    )
    def k(tokens_hbm, table_hbm, pe_hbm, out_hbm, idx_v, pe_v, gbuf, gsem, osem):
        wid = lax.axis_index("s") * 2 + lax.axis_index("c")
        base = wid * per_w
        pltpu.sync_copy(tokens_hbm.at[pl.ds(base, per_w)], idx_v)
        pltpu.sync_copy(pe_hbm, pe_v)

        def gathers(c, slot):
            off = c * _CHUNK
            for so, n in _SUB:
                pltpu.async_copy(
                    table_hbm.at[idx_v.at[pl.ds(off + so, n)]],
                    gbuf.at[slot, pl.ds(so, n)],
                    gsem,
                )

        def wait_gathers(slot):
            for so, n in _SUB:
                pltpu.make_async_copy(
                    table_hbm.at[idx_v.at[pl.ds(so, n)]],
                    gbuf.at[slot, pl.ds(so, n)],
                    gsem,
                ).wait()

        def out_copy(c, slot):
            pltpu.async_copy(
                gbuf.at[slot], out_hbm.at[pl.ds(base + c * _CHUNK, _CHUNK)], osem
            )

        def wait_out(slot):
            pltpu.make_async_copy(
                gbuf.at[slot], out_hbm.at[pl.ds(base, _CHUNK)], osem
            ).wait()

        def add_pe(slot):
            def body(r, carry):
                for j in range(d // 16):
                    sl = pl.ds(j * 16, 16)
                    gbuf[slot, r, sl] = gbuf[slot, r, sl] + pe_v[r, sl]
                return carry

            lax.fori_loop(0, _CHUNK, body, 0, unroll=2)

        for pre in range(_RING - 1):
            gathers(pre, pre)

        def chunk_body(c, carry):
            for slot in range(_RING):
                c2 = _RING * c + slot
                nslot = (slot + _RING - 1) % _RING

                wait_gathers(slot)
                add_pe(slot)
                out_copy(c2, slot)

                @pl.when(c2 + _RING - 1 < n_chunks)
                def _():
                    @pl.when(c2 >= 1)
                    def _():
                        wait_out(nslot)

                    gathers(c2 + _RING - 1, nslot)

            return carry

        lax.fori_loop(0, n_chunks // _RING, chunk_body, 0)
        for fslot in range(_RING):
            wait_out(fslot)

    return k(tokens_flat, table, pe)


def kernel(tokens, table):
    b, s = tokens.shape
    v, d = table.shape
    bp = b // _P
    pe = jnp.asarray(_pos_encoding(s, d))
    pieces = []
    for p in range(_P):
        tok_p = tokens[p * bp:(p + 1) * bp].reshape(-1).astype(jnp.int32)
        out_p = _emb_lookup(tok_p, table, pe, n_rows=bp * s, d=d)
        pieces.append(out_p.reshape(bp, s, d))
    return jnp.concatenate(pieces, axis=0)

# --- scband reference (transcript-rebuilt; emitter-appended) ---
"""Pipeline reference for scband-word-embedding-31885837206248 (READ-ONLY COPY).

The authoritative reference and input builder live on the scoring server;
editing this copy changes nothing except your own understanding.
"""

import jax, jax.numpy as jnp
import numpy as np

VOCAB = 1000000
MAX_SEQ_LEN = 200
D_MODEL = 64
BATCH = 4096


def _positional_embedding(max_seq_len, d_model):
    pos = np.arange(max_seq_len, dtype=np.float64)[:, None]
    i = np.arange(d_model, dtype=np.float64)[None, :]
    angle = pos / np.power(10000.0, (2.0 * (np.floor(i / 2.0))) / d_model)
    pe = np.where((np.arange(d_model)[None, :] % 2) == 0, np.sin(angle), np.cos(angle))
    return jnp.asarray(pe, dtype=jnp.float32)


def setup_inputs(seed: int = 0) -> dict:
    key = jax.random.key(seed)
    k1, k2 = jax.random.split(key)
    tokens = jax.random.randint(k1, (BATCH, MAX_SEQ_LEN), 0, VOCAB, dtype=jnp.int64)
    # nn.Embedding default init: N(0, 1)
    table = jax.random.normal(k2, (VOCAB, D_MODEL), dtype=jnp.float32)
    return {"tokens": tokens, "table": table}


def reference(tokens, table):
    tokens = tokens.astype(jnp.int64)
    word_emb = jnp.take(table, tokens, axis=0)  # [B, S, D]
    pe = _positional_embedding(MAX_SEQ_LEN, D_MODEL)  # [S, D]
    out = word_emb + pe[None, :, :]
    return out

if __name__ == "__main__":
    import jax
    _d = setup_inputs()
    print(jax.jit(kernel)(*tuple(_d.values())))

</pallas_src>

<mosaic_0001>
#map = affine_map<(d0, d1) -> (0)>
#map1 = affine_map<(d0, d1) -> (0, 0)>
module attributes {stable_mosaic.version = 14 : i64} {
  func.func @k(%arg0: i32, %arg1: i32, %arg2: memref<409600xi32, #tpu.memory_space<hbm>>, %arg3: memref<1000000x64xf32, #tpu.memory_space<hbm>>, %arg4: memref<200x64xf32, #tpu.memory_space<hbm>>, %arg5: memref<409600x64xf32, #tpu.memory_space<hbm>>, %arg6: memref<12800xi32, #tpu.memory_space<vmem>>, %arg7: memref<200x64xf32, #tpu.memory_space<vmem>>, %arg8: memref<4x200x64xf32, #tpu.memory_space<vmem>>, %arg9: memref<!tpu.dma_semaphore, #tpu.memory_space<semaphore_mem>>, %arg10: memref<!tpu.dma_semaphore, #tpu.memory_space<semaphore_mem>>) attributes {dimension_semantics = [#tpu.dimension_semantics<core_parallel>, #tpu.dimension_semantics<subcore_parallel>], iteration_bounds = array<i64: 2, 16>, scalar_prefetch = 0 : i64, scratch_operands = 5 : i64, tpu.core_type = #tpu.core_type<sc_vector_subcore>, window_params = [{transform_indices = #map}, {transform_indices = #map1}, {transform_indices = #map1}, {transform_indices = #map1}]} {
    %mul3A = arith.constant 2 : i32
    %mul3A_0 = arith.muli %arg1, %mul3A : i32
    %add3A = arith.addi %mul3A_0, %arg0 : i32
    %mul3A_1 = arith.constant 12800 : i32
    %mul3A_2 = arith.muli %add3A, %mul3A_1 : i32
    "tpu.region"() ({
      %run_scoped3A = tpu.sem_alloc : memref<!tpu.dma_semaphore, #tpu.memory_space<semaphore_mem>>
      %dma_start3A_118 = tpu.memref_slice %arg2[%mul3A_2] : memref<409600xi32, #tpu.memory_space<hbm>> -> memref<12800xi32, #tpu.memory_space<hbm>>
      %dma_start3A_119 = tpu.memref_slice %arg2[%mul3A_2] : memref<409600xi32, #tpu.memory_space<hbm>> -> memref<12800xi32, #tpu.memory_space<hbm>>
      tpu.enqueue_dma source(%dma_start3A_119 : memref<12800xi32, #tpu.memory_space<hbm>>) target(%arg6 : memref<12800xi32, #tpu.memory_space<vmem>>) target_semaphore(%run_scoped3A : memref<!tpu.dma_semaphore, #tpu.memory_space<semaphore_mem>>)
      %dma_wait3A_120 = tpu.memref_slice %arg2[%mul3A_2] : memref<409600xi32, #tpu.memory_space<hbm>> -> memref<12800xi32, #tpu.memory_space<hbm>>
      %dma_wait3A_121 = tpu.memref_slice %arg2[%mul3A_2] : memref<409600xi32, #tpu.memory_space<hbm>> -> memref<12800xi32, #tpu.memory_space<hbm>>
      tpu.wait_dma2 semaphore(%run_scoped3A : memref<!tpu.dma_semaphore, #tpu.memory_space<semaphore_mem>>) src(%dma_wait3A_121 : memref<12800xi32, #tpu.memory_space<hbm>>) dst(%arg6 : memref<12800xi32, #tpu.memory_space<vmem>>)
      tpu.yield
    }) : () -> ()
    "tpu.region"() ({
      %run_scoped3A = tpu.sem_alloc : memref<!tpu.dma_semaphore, #tpu.memory_space<semaphore_mem>>
      tpu.enqueue_dma source(%arg4 : memref<200x64xf32, #tpu.memory_space<hbm>>) target(%arg7 : memref<200x64xf32, #tpu.memory_space<vmem>>) target_semaphore(%run_scoped3A : memref<!tpu.dma_semaphore, #tpu.memory_space<semaphore_mem>>)
      tpu.wait_dma2 semaphore(%run_scoped3A : memref<!tpu.dma_semaphore, #tpu.memory_space<semaphore_mem>>) src(%arg4 : memref<200x64xf32, #tpu.memory_space<hbm>>) dst(%arg7 : memref<200x64xf32, #tpu.memory_space<vmem>>)
      tpu.yield
    }) : () -> ()
    %dma_start3A = arith.constant 0 : i32
    %dma_start3A_3 = arith.constant 0 : i32
    %dma_start3A_4 = arith.constant 0 : i32
    %dma_start3A_5 = tpu.memref_slice %arg8[%dma_start3A, %dma_start3A_3, %dma_start3A_4] : memref<4x200x64xf32, #tpu.memory_space<vmem>> -> memref<1x128x64xf32, #tpu.memory_space<vmem>>
    %dma_start3A_6 = tpu.memref_squeeze %dma_start3A_5 : memref<1x128x64xf32, #tpu.memory_space<vmem>> -> memref<128x64xf32, #tpu.memory_space<vmem>>
    %dma_start3A_7 = arith.constant 0 : i32
    %dma_start3A_8 = tpu.memref_slice %arg6[%dma_start3A_7] : memref<12800xi32, #tpu.memory_space<vmem>> -> memref<128xi32, #tpu.memory_space<vmem>>
    %dma_start3A_9 = arith.constant 0 : i32
    %dma_start3A_10 = arith.constant 0 : i32
    %dma_start3A_11 = tpu.memref_slice %arg3[%dma_start3A_9, %dma_start3A_10] : memref<1000000x64xf32, #tpu.memory_space<hbm>> -> memref<1000000x64xf32, #tpu.memory_space<hbm>>
    tpu.enqueue_indirect_dma source(%dma_start3A_11 : memref<1000000x64xf32, #tpu.memory_space<hbm>>) target(%dma_start3A_6 : memref<128x64xf32, #tpu.memory_space<vmem>>) offsets(%dma_start3A_8 : memref<128xi32, #tpu.memory_space<vmem>>) semaphore(%arg9 : memref<!tpu.dma_semaphore, #tpu.memory_space<semaphore_mem>>)
    %dma_start3A_12 = arith.constant 0 : i32
    %dma_start3A_13 = arith.constant 128 : i32
    %dma_start3A_14 = arith.constant 0 : i32
    %dma_start3A_15 = tpu.memref_slice %arg8[%dma_start3A_12, %dma_start3A_13, %dma_start3A_14] : memref<4x200x64xf32, #tpu.memory_space<vmem>> -> memref<1x72x64xf32, #tpu.memory_space<vmem>>
    %dma_start3A_16 = tpu.memref_squeeze %dma_start3A_15 : memref<1x72x64xf32, #tpu.memory_space<vmem>> -> memref<72x64xf32, #tpu.memory_space<vmem>>
    %dma_start3A_17 = arith.constant 128 : i32
    %dma_start3A_18 = tpu.memref_slice %arg6[%dma_start3A_17] : memref<12800xi32, #tpu.memory_space<vmem>> -> memref<72xi32, #tpu.memory_space<vmem>>
    %dma_start3A_19 = arith.constant 0 : i32
    %dma_start3A_20 = arith.constant 0 : i32
    %dma_start3A_21 = tpu.memref_slice %arg3[%dma_start3A_19, %dma_start3A_20] : memref<1000000x64xf32, #tpu.memory_space<hbm>> -> memref<1000000x64xf32, #tpu.memory_space<hbm>>
    tpu.enqueue_indirect_dma source(%dma_start3A_21 : memref<1000000x64xf32, #tpu.memory_space<hbm>>) target(%dma_start3A_16 : memref<72x64xf32, #tpu.memory_space<vmem>>) offsets(%dma_start3A_18 : memref<72xi32, #tpu.memory_space<vmem>>) semaphore(%arg9 : memref<!tpu.dma_semaphore, #tpu.memory_space<semaphore_mem>>)
    %dma_start3A_22 = arith.constant 1 : i32
    %dma_start3A_23 = arith.constant 0 : i32
    %dma_start3A_24 = arith.constant 0 : i32
    %dma_start3A_25 = tpu.memref_slice %arg8[%dma_start3A_22, %dma_start3A_23, %dma_start3A_24] : memref<4x200x64xf32, #tpu.memory_space<vmem>> -> memref<1x128x64xf32, #tpu.memory_space<vmem>>
    %dma_start3A_26 = tpu.memref_squeeze %dma_start3A_25 : memref<1x128x64xf32, #tpu.memory_space<vmem>> -> memref<128x64xf32, #tpu.memory_space<vmem>>
    %dma_start3A_27 = arith.constant 200 : i32
    %dma_start3A_28 = tpu.memref_slice %arg6[%dma_start3A_27] : memref<12800xi32, #tpu.memory_space<vmem>> -> memref<128xi32, #tpu.memory_space<vmem>>
    %dma_start3A_29 = arith.constant 0 : i32
    %dma_start3A_30 = arith.constant 0 : i32
    %dma_start3A_31 = tpu.memref_slice %arg3[%dma_start3A_29, %dma_start3A_30] : memref<1000000x64xf32, #tpu.memory_space<hbm>> -> memref<1000000x64xf32, #tpu.memory_space<hbm>>
    tpu.enqueue_indirect_dma source(%dma_start3A_31 : memref<1000000x64xf32, #tpu.memory_space<hbm>>) target(%dma_start3A_26 : memref<128x64xf32, #tpu.memory_space<vmem>>) offsets(%dma_start3A_28 : memref<128xi32, #tpu.memory_space<vmem>>) semaphore(%arg9 : memref<!tpu.dma_semaphore, #tpu.memory_space<semaphore_mem>>)
    %dma_start3A_32 = arith.constant 1 : i32
    %dma_start3A_33 = arith.constant 128 : i32
    %dma_start3A_34 = arith.constant 0 : i32
    %dma_start3A_35 = tpu.memref_slice %arg8[%dma_start3A_32, %dma_start3A_33, %dma_start3A_34] : memref<4x200x64xf32, #tpu.memory_space<vmem>> -> memref<1x72x64xf32, #tpu.memory_space<vmem>>
    %dma_start3A_36 = tpu.memref_squeeze %dma_start3A_35 : memref<1x72x64xf32, #tpu.memory_space<vmem>> -> memref<72x64xf32, #tpu.memory_space<vmem>>
    %dma_start3A_37 = arith.constant 328 : i32
    %dma_start3A_38 = tpu.memref_slice %arg6[%dma_start3A_37] : memref<12800xi32, #tpu.memory_space<vmem>> -> memref<72xi32, #tpu.memory_space<vmem>>
    %dma_start3A_39 = arith.constant 0 : i32
    %dma_start3A_40 = arith.constant 0 : i32
    %dma_start3A_41 = tpu.memref_slice %arg3[%dma_start3A_39, %dma_start3A_40] : memref<1000000x64xf32, #tpu.memory_space<hbm>> -> memref<1000000x64xf32, #tpu.memory_space<hbm>>
    tpu.enqueue_indirect_dma source(%dma_start3A_41 : memref<1000000x64xf32, #tpu.memory_space<hbm>>) target(%dma_start3A_36 : memref<72x64xf32, #tpu.memory_space<vmem>>) offsets(%dma_start3A_38 : memref<72xi32, #tpu.memory_space<vmem>>) semaphore(%arg9 : memref<!tpu.dma_semaphore, #tpu.memory_space<semaphore_mem>>)
    %dma_start3A_42 = arith.constant 2 : i32
    %dma_start3A_43 = arith.constant 0 : i32
    %dma_start3A_44 = arith.constant 0 : i32
    %dma_start3A_45 = tpu.memref_slice %arg8[%dma_start3A_42, %dma_start3A_43, %dma_start3A_44] : memref<4x200x64xf32, #tpu.memory_space<vmem>> -> memref<1x128x64xf32, #tpu.memory_space<vmem>>
    %dma_start3A_46 = tpu.memref_squeeze %dma_start3A_45 : memref<1x128x64xf32, #tpu.memory_space<vmem>> -> memref<128x64xf32, #tpu.memory_space<vmem>>
    %dma_start3A_47 = arith.constant 400 : i32
    %dma_start3A_48 = tpu.memref_slice %arg6[%dma_start3A_47] : memref<12800xi32, #tpu.memory_space<vmem>> -> memref<128xi32, #tpu.memory_space<vmem>>
    %dma_start3A_49 = arith.constant 0 : i32
    %dma_start3A_50 = arith.constant 0 : i32
    %dma_start3A_51 = tpu.memref_slice %arg3[%dma_start3A_49, %dma_start3A_50] : memref<1000000x64xf32, #tpu.memory_space<hbm>> -> memref<1000000x64xf32, #tpu.memory_space<hbm>>
    tpu.enqueue_indirect_dma source(%dma_start3A_51 : memref<1000000x64xf32, #tpu.memory_space<hbm>>) target(%dma_start3A_46 : memref<128x64xf32, #tpu.memory_space<vmem>>) offsets(%dma_start3A_48 : memref<128xi32, #tpu.memory_space<vmem>>) semaphore(%arg9 : memref<!tpu.dma_semaphore, #tpu.memory_space<semaphore_mem>>)
    %dma_start3A_52 = arith.constant 2 : i32
    %dma_start3A_53 = arith.constant 128 : i32
    %dma_start3A_54 = arith.constant 0 : i32
    %dma_start3A_55 = tpu.memref_slice %arg8[%dma_start3A_52, %dma_start3A_53, %dma_start3A_54] : memref<4x200x64xf32, #tpu.memory_space<vmem>> -> memref<1x72x64xf32, #tpu.memory_space<vmem>>
    %dma_start3A_56 = tpu.memref_squeeze %dma_start3A_55 : memref<1x72x64xf32, #tpu.memory_space<vmem>> -> memref<72x64xf32, #tpu.memory_space<vmem>>
    %dma_start3A_57 = arith.constant 528 : i32
    %dma_start3A_58 = tpu.memref_slice %arg6[%dma_start3A_57] : memref<12800xi32, #tpu.memory_space<vmem>> -> memref<72xi32, #tpu.memory_space<vmem>>
    %dma_start3A_59 = arith.constant 0 : i32
    %dma_start3A_60 = arith.constant 0 : i32
    %dma_start3A_61 = tpu.memref_slice %arg3[%dma_start3A_59, %dma_start3A_60] : memref<1000000x64xf32, #tpu.memory_space<hbm>> -> memref<1000000x64xf32, #tpu.memory_space<hbm>>
    tpu.enqueue_indirect_dma source(%dma_start3A_61 : memref<1000000x64xf32, #tpu.memory_space<hbm>>) target(%dma_start3A_56 : memref<72x64xf32, #tpu.memory_space<vmem>>) offsets(%dma_start3A_58 : memref<72xi32, #tpu.memory_space<vmem>>) semaphore(%arg9 : memref<!tpu.dma_semaphore, #tpu.memory_space<semaphore_mem>>)
    %scan3A = arith.constant 0 : i32
    %scan3A_62 = arith.constant 0 : i32
    %scan3A_63 = arith.constant 16 : i32
    %scan3A_64 = arith.addi %scan3A_62, %scan3A_63 : i32
    %scan3A_65 = arith.constant 1 : i32
    scf.for %scan3A_118 = %scan3A_62 to %scan3A_64 step %scan3A_65  : i32 {
      %mul3A_119 = arith.constant 4 : i32
      %mul3A_120 = arith.muli %mul3A_119, %scan3A_118 : i32
      %add3A_121 = arith.constant 0 : i32
      %add3A_122 = arith.addi %mul3A_120, %add3A_121 : i32
      %dma_wait3A_123 = arith.constant 0 : i32
      %dma_wait3A_124 = arith.constant 0 : i32
      %dma_wait3A_125 = arith.constant 0 : i32
      %dma_wait3A_126 = tpu.memref_slice %arg8[%dma_wait3A_123, %dma_wait3A_124, %dma_wait3A_125] : memref<4x200x64xf32, #tpu.memory_space<vmem>> -> memref<1x128x64xf32, #tpu.memory_space<vmem>>
      %dma_wait3A_127 = tpu.memref_squeeze %dma_wait3A_126 : memref<1x128x64xf32, #tpu.memory_space<vmem>> -> memref<128x64xf32, #tpu.memory_space<vmem>>
      %dma_wait3A_128 = arith.constant 0 : i32
      %dma_wait3A_129 = tpu.memref_slice %arg6[%dma_wait3A_128] : memref<12800xi32, #tpu.memory_space<vmem>> -> memref<128xi32, #tpu.memory_space<vmem>>
      %dma_wait3A_130 = arith.constant 0 : i32
      %dma_wait3A_131 = arith.constant 0 : i32
      %dma_wait3A_132 = tpu.memref_slice %arg3[%dma_wait3A_130, %dma_wait3A_131] : memref<1000000x64xf32, #tpu.memory_space<hbm>> -> memref<1000000x64xf32, #tpu.memory_space<hbm>>
      tpu.wait_indirect_dma semaphore(%arg9 : memref<!tpu.dma_semaphore, #tpu.memory_space<semaphore_mem>>) src(%dma_wait3A_132 : memref<1000000x64xf32, #tpu.memory_space<hbm>>) dst(%dma_wait3A_127 : memref<128x64xf32, #tpu.memory_space<vmem>>)
      %dma_wait3A_133 = arith.constant 0 : i32
      %dma_wait3A_134 = arith.constant 128 : i32
      %dma_wait3A_135 = arith.constant 0 : i32
      %dma_wait3A_136 = tpu.memref_slice %arg8[%dma_wait3A_133, %dma_wait3A_134, %dma_wait3A_135] : memref<4x200x64xf32, #tpu.memory_space<vmem>> -> memref<1x72x64xf32, #tpu.memory_space<vmem>>
      %dma_wait3A_137 = tpu.memref_squeeze %dma_wait3A_136 : memref<1x72x64xf32, #tpu.memory_space<vmem>> -> memref<72x64xf32, #tpu.memory_space<vmem>>
      %dma_wait3A_138 = arith.constant 128 : i32
      %dma_wait3A_139 = tpu.memref_slice %arg6[%dma_wait3A_138] : memref<12800xi32, #tpu.memory_space<vmem>> -> memref<72xi32, #tpu.memory_space<vmem>>
      %dma_wait3A_140 = arith.constant 0 : i32
      %dma_wait3A_141 = arith.constant 0 : i32
      %dma_wait3A_142 = tpu.memref_slice %arg3[%dma_wait3A_140, %dma_wait3A_141] : memref<1000000x64xf32, #tpu.memory_space<hbm>> -> memref<1000000x64xf32, #tpu.memory_space<hbm>>
      tpu.wait_indirect_dma semaphore(%arg9 : memref<!tpu.dma_semaphore, #tpu.memory_space<semaphore_mem>>) src(%dma_wait3A_142 : memref<1000000x64xf32, #tpu.memory_space<hbm>>) dst(%dma_wait3A_137 : memref<72x64xf32, #tpu.memory_space<vmem>>)
      %scan3A_143 = arith.constant 0 : i32
      %scan3A_144 = arith.constant 0 : i32
      %scan3A_145 = arith.constant 200 : i32
      %scan3A_146 = arith.addi %scan3A_144, %scan3A_145 : i32
      %scan3A_147 = arith.constant 2 : i32
      scf.for %scan3A_335 = %scan3A_144 to %scan3A_146 step %scan3A_147  : i32 {
        %get3A = arith.constant 0 : i32
        %get3A_336 = arith.index_cast %get3A : i32 to index
        %get3A_337 = arith.index_cast %scan3A_335 : i32 to index
        %get3A_338 = arith.constant 0 : index
        %get3A_339 = tpu.vector_load %arg8[%get3A_336, %get3A_337, %get3A_338] {strides = array<i32>} : memref<4x200x64xf32, #tpu.memory_space<vmem>>, vector<1x1x16xf32>,
        %get3A_340 = vector.shape_cast %get3A_339 : vector<1x1x16xf32> to vector<16xf32>
        %get3A_341 = arith.index_cast %scan3A_335 : i32 to index
        %get3A_342 = arith.constant 0 : index
        %get3A_343 = tpu.vector_load %arg7[%get3A_341, %get3A_342] {strides = array<i32>} : memref<200x64xf32, #tpu.memory_space<vmem>>, vector<1x16xf32>,
        %get3A_344 = vector.shape_cast %get3A_343 : vector<1x16xf32> to vector<16xf32>
        %add3A_345 = arith.addf %get3A_340, %get3A_344 : vector<16xf32>
        %swap3A = arith.constant 0 : i32
        %swap3A_346 = arith.index_cast %swap3A : i32 to index
        %swap3A_347 = arith.index_cast %scan3A_335 : i32 to index
        %swap3A_348 = arith.constant 0 : index
        %swap3A_349 = tpu.vector_load %arg8[%swap3A_346, %swap3A_347, %swap3A_348] {strides = array<i32>} : memref<4x200x64xf32, #tpu.memory_space<vmem>>, vector<1x1x16xf32>,
        %swap3A_350 = vector.shape_cast %swap3A_349 : vector<1x1x16xf32> to vector<16xf32>
        %swap3A_351 = vector.shape_cast %add3A_345 : vector<16xf32> to vector<1x1x16xf32>
        tpu.vector_store %arg8[%swap3A_346, %swap3A_347, %swap3A_348], %swap3A_351 {strides = array<i32>} : memref<4x200x64xf32, #tpu.memory_space<vmem>>, vector<1x1x16xf32>,
        %get3A_352 = arith.constant 0 : i32
        %get3A_353 = arith.index_cast %get3A_352 : i32 to index
        %get3A_354 = arith.index_cast %scan3A_335 : i32 to index
        %get3A_355 = arith.constant 16 : index
        %get3A_356 = tpu.vector_load %arg8[%get3A_353, %get3A_354, %get3A_355] {strides = array<i32>} : memref<4x200x64xf32, #tpu.memory_space<vmem>>, vector<1x1x16xf32>,
        %get3A_357 = vector.shape_cast %get3A_356 : vector<1x1x16xf32> to vector<16xf32>
        %get3A_358 = arith.index_cast %scan3A_335 : i32 to index
        %get3A_359 = arith.constant 16 : index
        %get3A_360 = tpu.vector_load %arg7[%get3A_358, %get3A_359] {strides = array<i32>} : memref<200x64xf32, #tpu.memory_space<vmem>>, vector<1x16xf32>,
        %get3A_361 = vector.shape_cast %get3A_360 : vector<1x16xf32> to vector<16xf32>
        %add3A_362 = arith.addf %get3A_357, %get3A_361 : vector<16xf32>
        %swap3A_363 = arith.constant 0 : i32
        %swap3A_364 = arith.index_cast %swap3A_363 : i32 to index
        %swap3A_365 = arith.index_cast %scan3A_335 : i32 to index
        %swap3A_366 = arith.constant 16 : index
        %swap3A_367 = tpu.vector_load %arg8[%swap3A_364, %swap3A_365, %swap3A_366] {strides = array<i32>} : memref<4x200x64xf32, #tpu.memory_space<vmem>>, vector<1x1x16xf32>,
        %swap3A_368 = vector.shape_cast %swap3A_367 : vector<1x1x16xf32> to vector<16xf32>
        %swap3A_369 = vector.shape_cast %add3A_362 : vector<16xf32> to vector<1x1x16xf32>
        tpu.vector_store %arg8[%swap3A_364, %swap3A_365, %swap3A_366], %swap3A_369 {strides = array<i32>} : memref<4x200x64xf32, #tpu.memory_space<vmem>>, vector<1x1x16xf32>,
        %get3A_370 = arith.constant 0 : i32
        %get3A_371 = arith.index_cast %get3A_370 : i32 to index
        %get3A_372 = arith.index_cast %scan3A_335 : i32 to index
        %get3A_373 = arith.constant 32 : index
        %get3A_374 = tpu.vector_load %arg8[%get3A_371, %get3A_372, %get3A_373] {strides = array<i32>} : memref<4x200x64xf32, #tpu.memory_space<vmem>>, vector<1x1x16xf32>,
        %get3A_375 = vector.shape_cast %get3A_374 : vector<1x1x16xf32> to vector<16xf32>
        %get3A_376 = arith.index_cast %scan3A_335 : i32 to index
        %get3A_377 = arith.constant 32 : index
        %get3A_378 = tpu.vector_load %arg7[%get3A_376, %get3A_377] {strides = array<i32>} : memref<200x64xf32, #tpu.memory_space<vmem>>, vector<1x16xf32>,
        %get3A_379 = vector.shape_cast %get3A_378 : vector<1x16xf32> to vector<16xf32>
        %add3A_380 = arith.addf %get3A_375, %get3A_379 : vector<16xf32>
        %swap3A_381 = arith.constant 0 : i32
        %swap3A_382 = arith.index_cast %swap3A_381 : i32 to index
        %swap3A_383 = arith.index_cast %scan3A_335 : i32 to index
        %swap3A_384 = arith.constant 32 : index
        %swap3A_385 = tpu.vector_load %arg8[%swap3A_382, %swap3A_383, %swap3A_384] {strides = array<i32>} : memref<4x200x64xf32, #tpu.memory_space<vmem>>, vector<1x1x16xf32>,
        %swap3A_386 = vector.shape_cast %swap3A_385 : vector<1x1x16xf32> to vector<16xf32>
        %swap3A_387 = vector.shape_cast %add3A_380 : vector<16xf32> to vector<1x1x16xf32>
        tpu.vector_store %arg8[%swap3A_382, %swap3A_383, %swap3A_384], %swap3A_387 {strides = array<i32>} : memref<4x200x64xf32, #tpu.memory_space<vmem>>, vector<1x1x16xf32>,
        %get3A_388 = arith.constant 0 : i32
        %get3A_389 = arith.index_cast %get3A_388 : i32 to index
        %get3A_390 = arith.index_cast %scan3A_335 : i32 to index
        %get3A_391 = arith.constant 48 : index
        %get3A_392 = tpu.vector_load %arg8[%get3A_389, %get3A_390, %get3A_391] {strides = array<i32>} : memref<4x200x64xf32, #tpu.memory_space<vmem>>, vector<1x1x16xf32>,
        %get3A_393 = vector.shape_cast %get3A_392 : vector<1x1x16xf32> to vector<16xf32>
        %get3A_394 = arith.index_cast %scan3A_335 : i32 to index
        %get3A_395 = arith.constant 48 : index
        %get3A_396 = tpu.vector_load %arg7[%get3A_394, %get3A_395] {strides = array<i32>} : memref<200x64xf32, #tpu.memory_space<vmem>>, vector<1x16xf32>,
        %get3A_397 = vector.shape_cast %get3A_396 : vector<1x16xf32> to vector<16xf32>
        %add3A_398 = arith.addf %get3A_393, %get3A_397 : vector<16xf32>
        %swap3A_399 = arith.constant 0 : i32
        %swap3A_400 = arith.index_cast %swap3A_399 : i32 to index
        %swap3A_401 = arith.index_cast %scan3A_335 : i32 to index
        %swap3A_402 = arith.constant 48 : index
        %swap3A_403 = tpu.vector_load %arg8[%swap3A_400, %swap3A_401, %swap3A_402] {strides = array<i32>} : memref<4x200x64xf32, #tpu.memory_space<vmem>>, vector<1x1x16xf32>,
        %swap3A_404 = vector.shape_cast %swap3A_403 : vector<1x1x16xf32> to vector<16xf32>
        %swap3A_405 = vector.shape_cast %add3A_398 : vector<16xf32> to vector<1x1x16xf32>
        tpu.vector_store %arg8[%swap3A_400, %swap3A_401, %swap3A_402], %swap3A_405 {strides = array<i32>} : memref<4x200x64xf32, #tpu.memory_space<vmem>>, vector<1x1x16xf32>,
        %scan3A_406 = arith.constant 1 : i32
        %scan3A_407 = arith.addi %scan3A_335, %scan3A_406 : i32
        %get3A_408 = arith.constant 0 : i32
        %get3A_409 = arith.index_cast %get3A_408 : i32 to index
        %get3A_410 = arith.index_cast %scan3A_407 : i32 to index
        %get3A_411 = arith.constant 0 : index
        %get3A_412 = tpu.vector_load %arg8[%get3A_409, %get3A_410, %get3A_411] {strides = array<i32>} : memref<4x200x64xf32, #tpu.memory_space<vmem>>, vector<1x1x16xf32>,
        %get3A_413 = vector.shape_cast %get3A_412 : vector<1x1x16xf32> to vector<16xf32>
        %get3A_414 = arith.index_cast %scan3A_407 : i32 to index
        %get3A_415 = arith.constant 0 : index
        %get3A_416 = tpu.vector_load %arg7[%get3A_414, %get3A_415] {strides = array<i32>} : memref<200x64xf32, #tpu.memory_space<vmem>>, vector<1x16xf32>,
        %get3A_417 = vector.shape_cast %get3A_416 : vector<1x16xf32> to vector<16xf32>
        %add3A_418 = arith.addf %get3A_413, %get3A_417 : vector<16xf32>
        %swap3A_419 = arith.constant 0 : i32
        %swap3A_420 = arith.index_cast %swap3A_419 : i32 to index
        %swap3A_421 = arith.index_cast %scan3A_407 : i32 to index
        %swap3A_422 = arith.constant 0 : index
        %swap3A_423 = tpu.vector_load %arg8[%swap3A_420, %swap3A_421, %swap3A_422] {strides = array<i32>} : memref<4x200x64xf32, #tpu.memory_space<vmem>>, vector<1x1x16xf32>,
        %swap3A_424 = vector.shape_cast %swap3A_423 : vector<1x1x16xf32> to vector<16xf32>
        %swap3A_425 = vector.shape_cast %add3A_418 : vector<16xf32> to vector<1x1x16xf32>
        tpu.vector_store %arg8[%swap3A_420, %swap3A_421, %swap3A_422], %swap3A_425 {strides = array<i32>} : memref<4x200x64xf32, #tpu.memory_space<vmem>>, vector<1x1x16xf32>,
        %get3A_426 = arith.constant 0 : i32
        %get3A_427 = arith.index_cast %get3A_426 : i32 to index
        %get3A_428 = arith.index_cast %scan3A_407 : i32 to index
        %get3A_429 = arith.constant 16 : index
        %get3A_430 = tpu.vector_load %arg8[%get3A_427, %get3A_428, %get3A_429] {strides = array<i32>} : memref<4x200x64xf32, #tpu.memory_space<vmem>>, vector<1x1x16xf32>,
        %get3A_431 = vector.shape_cast %get3A_430 : vector<1x1x16xf32> to vector<16xf32>
        %get3A_432 = arith.index_cast %scan3A_407 : i32 to index
        %get3A_433 = arith.constant 16 : index
        %get3A_434 = tpu.vector_load %arg7[%get3A_432, %get3A_433] {strides = array<i32>} : memref<200x64xf32, #tpu.memory_space<vmem>>, vector<1x16xf32>,
        %get3A_435 = vector.shape_cast %get3A_434 : vector<1x16xf32> to vector<16xf32>
        %add3A_436 = arith.addf %get3A_431, %get3A_435 : vector<16xf32>
        %swap3A_437 = arith.constant 0 : i32
        %swap3A_438 = arith.index_cast %swap3A_437 : i32 to index
        %swap3A_439 = arith.index_cast %scan3A_407 : i32 to index
        %swap3A_440 = arith.constant 16 : index
        %swap3A_441 = tpu.vector_load %arg8[%swap3A_438, %swap3A_439, %swap3A_440] {strides = array<i32>} : memref<4x200x64xf32, #tpu.memory_space<vmem>>, vector<1x1x16xf32>,
        %swap3A_442 = vector.shape_cast %swap3A_441 : vector<1x1x16xf32> to vector<16xf32>
        %swap3A_443 = vector.shape_cast %add3A_436 : vector<16xf32> to vector<1x1x16xf32>
        tpu.vector_store %arg8[%swap3A_438, %swap3A_439, %swap3A_440], %swap3A_443 {strides = array<i32>} : memref<4x200x64xf32, #tpu.memory_space<vmem>>, vector<1x1x16xf32>,
        %get3A_444 = arith.constant 0 : i32
        %get3A_445 = arith.index_cast %get3A_444 : i32 to index
        %get3A_446 = arith.index_cast %scan3A_407 : i32 to index
        %get3A_447 = arith.constant 32 : index
        %get3A_448 = tpu.vector_load %arg8[%get3A_445, %get3A_446, %get3A_447] {strides = array<i32>} : memref<4x200x64xf32, #tpu.memory_space<vmem>>, vector<1x1x16xf32>,
        %get3A_449 = vector.shape_cast %get3A_448 : vector<1x1x16xf32> to vector<16xf32>
        %get3A_450 = arith.index_cast %scan3A_407 : i32 to index
        %get3A_451 = arith.constant 32 : index
        %get3A_452 = tpu.vector_load %arg7[%get3A_450, %get3A_451] {strides = array<i32>} : memref<200x64xf32, #tpu.memory_space<vmem>>, vector<1x16xf32>,
        %get3A_453 = vector.shape_cast %get3A_452 : vector<1x16xf32> to vector<16xf32>
        %add3A_454 = arith.addf %get3A_449, %get3A_453 : vector<16xf32>
        %swap3A_455 = arith.constant 0 : i32
        %swap3A_456 = arith.index_cast %swap3A_455 : i32 to index
        %swap3A_457 = arith.index_cast %scan3A_407 : i32 to index
        %swap3A_458 = arith.constant 32 : index
        %swap3A_459 = tpu.vector_load %arg8[%swap3A_456, %swap3A_457, %swap3A_458] {strides = array<i32>} : memref<4x200x64xf32, #tpu.memory_space<vmem>>, vector<1x1x16xf32>,
        %swap3A_460 = vector.shape_cast %swap3A_459 : vector<1x1x16xf32> to vector<16xf32>
        %swap3A_461 = vector.shape_cast %add3A_454 : vector<16xf32> to vector<1x1x16xf32>
        tpu.vector_store %arg8[%swap3A_456, %swap3A_457, %swap3A_458], %swap3A_461 {strides = array<i32>} : memref<4x200x64xf32, #tpu.memory_space<vmem>>, vector<1x1x16xf32>,
        %get3A_462 = arith.constant 0 : i32
        %get3A_463 = arith.index_cast %get3A_462 : i32 to index
        %get3A_464 = arith.index_cast %scan3A_407 : i32 to index
        %get3A_465 = arith.constant 48 : index
        %get3A_466 = tpu.vector_load %arg8[%get3A_463, %get3A_464, %get3A_465] {strides = array<i32>} : memref<4x200x64xf32, #tpu.memory_space<vmem>>, vector<1x1x16xf32>,
        %get3A_467 = vector.shape_cast %get3A_466 : vector<1x1x16xf32> to vector<16xf32>
        %get3A_468 = arith.index_cast %scan3A_407 : i32 to index
        %get3A_469 = arith.constant 48 : index
        %get3A_470 = tpu.vector_load %arg7[%get3A_468, %get3A_469] {strides = array<i32>} : memref<200x64xf32, #tpu.memory_space<vmem>>, vector<1x16xf32>,
        %get3A_471 = vector.shape_cast %get3A_470 : vector<1x16xf32> to vector<16xf32>
        %add3A_472 = arith.addf %get3A_467, %get3A_471 : vector<16xf32>
        %swap3A_473 = arith.constant 0 : i32
        %swap3A_474 = arith.index_cast %swap3A_473 : i32 to index
        %swap3A_475 = arith.index_cast %scan3A_407 : i32 to index
        %swap3A_476 = arith.constant 48 : index
        %swap3A_477 = tpu.vector_load %arg8[%swap3A_474, %swap3A_475, %swap3A_476] {strides = array<i32>} : memref<4x200x64xf32, #tpu.memory_space<vmem>>, vector<1x1x16xf32>,
        %swap3A_478 = vector.shape_cast %swap3A_477 : vector<1x1x16xf32> to vector<16xf32>
        %swap3A_479 = vector.shape_cast %add3A_472 : vector<16xf32> to vector<1x1x16xf32>
        tpu.vector_store %arg8[%swap3A_474, %swap3A_475, %swap3A_476], %swap3A_479 {strides = array<i32>} : memref<4x200x64xf32, #tpu.memory_space<vmem>>, vector<1x1x16xf32>,
      }
      %scan3A_148 = arith.constant 200 : i32
      %mul3A_149 = arith.constant 200 : i32
      %mul3A_150 = arith.muli %add3A_122, %mul3A_149 : i32
      %add3A_151 = arith.addi %mul3A_2, %mul3A_150 : i32
      %dma_start3A_152 = arith.constant 0 : i32
      %dma_start3A_153 = arith.constant 0 : i32
      %dma_start3A_154 = arith.constant 0 : i32
      %dma_start3A_155 = tpu.memref_slice %arg8[%dma_start3A_152, %dma_start3A_153, %dma_start3A_154] : memref<4x200x64xf32, #tpu.memory_space<vmem>> -> memref<1x200x64xf32, #tpu.memory_space<vmem>>
      %dma_start3A_156 = tpu.memref_squeeze %dma_start3A_155 : memref<1x200x64xf32, #tpu.memory_space<vmem>> -> memref<200x64xf32, #tpu.memory_space<vmem>>
      %dma_start3A_157 = arith.constant 0 : i32
      %dma_start3A_158 = tpu.memref_slice %arg5[%add3A_151, %dma_start3A_157] : memref<409600x64xf32, #tpu.memory_space<hbm>> -> memref<200x64xf32, #tpu.memory_space<hbm>>
      %dma_start3A_159 = arith.constant 0 : i32
      %dma_start3A_160 = tpu.memref_slice %arg5[%add3A_151, %dma_start3A_159] : memref<409600x64xf32, #tpu.memory_space<hbm>> -> memref<200x64xf32, #tpu.memory_space<hbm>>
      %dma_start3A_161 = arith.constant 0 : i32
      %dma_start3A_162 = arith.constant 0 : i32
      %dma_start3A_163 = tpu.memref_slice %arg8[%dma_start3A_152, %dma_start3A_161, %dma_start3A_162] : memref<4x200x64xf32, #tpu.memory_space<vmem>> -> memref<1x200x64xf32, #tpu.memory_space<vmem>>
      %dma_start3A_164 = tpu.memref_squeeze %dma_start3A_163 : memref<1x200x64xf32, #tpu.memory_space<vmem>> -> memref<200x64xf32, #tpu.memory_space<vmem>>
      tpu.enqueue_dma source(%dma_start3A_164 : memref<200x64xf32, #tpu.memory_space<vmem>>) target(%dma_start3A_160 : memref<200x64xf32, #tpu.memory_space<hbm>>) target_semaphore(%arg10 : memref<!tpu.dma_semaphore, #tpu.memory_space<semaphore_mem>>)
      %add3A_165 = arith.constant 4 : i32
      %add3A_166 = arith.addi %add3A_122, %add3A_165 : i32
      %sub3A = arith.constant 1 : i32
      %sub3A_167 = arith.subi %add3A_166, %sub3A : i32
      %lt3A = arith.constant 64 : i32
      %lt3A_168 = arith.cmpi slt, %sub3A_167, %lt3A : i32
      %convert_element_type3A = arith.extui %lt3A_168 : i1 to i32
      %cond3A = arith.constant 0 : i32
      %cond3A_169 = arith.cmpi ne, %convert_element_type3A, %cond3A : i32
      scf.if %cond3A_169 {
        %ge3A = arith.constant 1 : i32
        %ge3A_335 = arith.cmpi sge, %add3A_122, %ge3A : i32
        %convert_element_type3A_336 = arith.extui %ge3A_335 : i1 to i32
        %cond3A_337 = arith.constant 0 : i32
        %cond3A_338 = arith.cmpi ne, %convert_element_type3A_336, %cond3A_337 : i32
        scf.if %cond3A_338 {
          %dma_wait3A_367 = arith.constant 3 : i32
          %dma_wait3A_368 = arith.constant 0 : i32
          %dma_wait3A_369 = arith.constant 0 : i32
          %dma_wait3A_370 = tpu.memref_slice %arg8[%dma_wait3A_367, %dma_wait3A_368, %dma_wait3A_369] : memref<4x200x64xf32, #tpu.memory_space<vmem>> -> memref<1x200x64xf32, #tpu.memory_space<vmem>>
          %dma_wait3A_371 = tpu.memref_squeeze %dma_wait3A_370 : memref<1x200x64xf32, #tpu.memory_space<vmem>> -> memref<200x64xf32, #tpu.memory_space<vmem>>
          %dma_wait3A_372 = arith.constant 0 : i32
          %dma_wait3A_373 = tpu.memref_slice %arg5[%mul3A_2, %dma_wait3A_372] : memref<409600x64xf32, #tpu.memory_space<hbm>> -> memref<200x64xf32, #tpu.memory_space<hbm>>
          %dma_wait3A_374 = arith.constant 0 : i32
          %dma_wait3A_375 = tpu.memref_slice %arg5[%mul3A_2, %dma_wait3A_374] : memref<409600x64xf32, #tpu.memory_space<hbm>> -> memref<200x64xf32, #tpu.memory_space<hbm>>
          %dma_wait3A_376 = arith.constant 0 : i32
          %dma_wait3A_377 = arith.constant 0 : i32
          %dma_wait3A_378 = tpu.memref_slice %arg8[%dma_wait3A_367, %dma_wait3A_376, %dma_wait3A_377] : memref<4x200x64xf32, #tpu.memory_space<vmem>> -> memref<1x200x64xf32, #tpu.memory_space<vmem>>
          %dma_wait3A_379 = tpu.memref_squeeze %dma_wait3A_378 : memref<1x200x64xf32, #tpu.memory_space<vmem>> -> memref<200x64xf32, #tpu.memory_space<vmem>>
          tpu.wait_dma2 semaphore(%arg10 : memref<!tpu.dma_semaphore, #tpu.memory_space<semaphore_mem>>) src(%dma_wait3A_379 : memref<200x64xf32, #tpu.memory_space<vmem>>) dst(%dma_wait3A_375 : memref<200x64xf32, #tpu.memory_space<hbm>>)
        } else {
        }
        %add3A_339 = arith.constant 4 : i32
        %add3A_340 = arith.addi %add3A_122, %add3A_339 : i32
        %sub3A_341 = arith.constant 1 : i32
        %sub3A_342 = arith.subi %add3A_340, %sub3A_341 : i32
        %mul3A_343 = arith.constant 200 : i32
        %mul3A_344 = arith.muli %sub3A_342, %mul3A_343 : i32
        %add3A_345 = arith.constant 0 : i32
        %add3A_346 = arith.addi %mul3A_344, %add3A_345 : i32
        %dma_start3A_347 = arith.constant 3 : i32
        %dma_start3A_348 = arith.constant 0 : i32
        %dma_start3A_349 = arith.constant 0 : i32
        %dma_start3A_350 = tpu.memref_slice %arg8[%dma_start3A_347, %dma_start3A_348, %dma_start3A_349] : memref<4x200x64xf32, #tpu.memory_space<vmem>> -> memref<1x128x64xf32, #tpu.memory_space<vmem>>
        %dma_start3A_351 = tpu.memref_squeeze %dma_start3A_350 : memref<1x128x64xf32, #tpu.memory_space<vmem>> -> memref<128x64xf32, #tpu.memory_space<vmem>>
        %dma_start3A_352 = tpu.memref_slice %arg6[%add3A_346] : memref<12800xi32, #tpu.memory_space<vmem>> -> memref<128xi32, #tpu.memory_space<vmem>>
        %dma_start3A_353 = arith.constant 0 : i32
        %dma_start3A_354 = arith.constant 0 : i32
        %dma_start3A_355 = tpu.memref_slice %arg3[%dma_start3A_353, %dma_start3A_354] : memref<1000000x64xf32, #tpu.memory_space<hbm>> -> memref<1000000x64xf32, #tpu.memory_space<hbm>>
        tpu.enqueue_indirect_dma source(%dma_start3A_355 : memref<1000000x64xf32, #tpu.memory_space<hbm>>) target(%dma_start3A_351 : memref<128x64xf32, #tpu.memory_space<vmem>>) offsets(%dma_start3A_352 : memref<128xi32, #tpu.memory_space<vmem>>) semaphore(%arg9 : memref<!tpu.dma_semaphore, #tpu.memory_space<semaphore_mem>>)
        %add3A_356 = arith.constant 128 : i32
        %add3A_357 = arith.addi %mul3A_344, %add3A_356 : i32
        %dma_start3A_358 = arith.constant 3 : i32
        %dma_start3A_359 = arith.constant 128 : i32
        %dma_start3A_360 = arith.constant 0 : i32
        %dma_start3A_361 = tpu.memref_slice %arg8[%dma_start3A_358, %dma_start3A_359, %dma_start3A_360] : memref<4x200x64xf32, #tpu.memory_space<vmem>> -> memref<1x72x64xf32, #tpu.memory_space<vmem>>
        %dma_start3A_362 = tpu.memref_squeeze %dma_start3A_361 : memref<1x72x64xf32, #tpu.memory_space<vmem>> -> memref<72x64xf32, #tpu.memory_space<vmem>>
        %dma_start3A_363 = tpu.memref_slice %arg6[%add3A_357] : memref<12800xi32, #tpu.memory_space<vmem>> -> memref<72xi32, #tpu.memory_space<vmem>>
        %dma_start3A_364 = arith.constant 0 : i32
        %dma_start3A_365 = arith.constant 0 : i32
        %dma_start3A_366 = tpu.memref_slice %arg3[%dma_start3A_364, %dma_start3A_365] : memref<1000000x64xf32, #tpu.memory_space<hbm>> -> memref<1000000x64xf32, #tpu.memory_space<hbm>>
        tpu.enqueue_indirect_dma source(%dma_start3A_366 : memref<1000000x64xf32, #tpu.memory_space<hbm>>) target(%dma_start3A_362 : memref<72x64xf32, #tpu.memory_space<vmem>>) offsets(%dma_start3A_363 : memref<72xi32, #tpu.memory_space<vmem>>) semaphore(%arg9 : memref<!tpu.dma_semaphore, #tpu.memory_space<semaphore_mem>>)
      } else {
      }
      %mul3A_170 = arith.constant 4 : i32
      %mul3A_171 = arith.muli %mul3A_170, %scan3A_118 : i32
      %add3A_172 = arith.constant 1 : i32
      %add3A_173 = arith.addi %mul3A_171, %add3A_172 : i32
      %dma_wait3A_174 = arith.constant 1 : i32
      %dma_wait3A_175 = arith.constant 0 : i32
      %dma_wait3A_176 = arith.constant 0 : i32
      %dma_wait3A_177 = tpu.memref_slice %arg8[%dma_wait3A_174, %dma_wait3A_175, %dma_wait3A_176] : memref<4x200x64xf32, #tpu.memory_space<vmem>> -> memref<1x128x64xf32, #tpu.memory_space<vmem>>
      %dma_wait3A_178 = tpu.memref_squeeze %dma_wait3A_177 : memref<1x128x64xf32, #tpu.memory_space<vmem>> -> memref<128x64xf32, #tpu.memory_space<vmem>>
      %dma_wait3A_179 = arith.constant 0 : i32
      %dma_wait3A_180 = tpu.memref_slice %arg6[%dma_wait3A_179] : memref<12800xi32, #tpu.memory_space<vmem>> -> memref<128xi32, #tpu.memory_space<vmem>>
      %dma_wait3A_181 = arith.constant 0 : i32
      %dma_wait3A_182 = arith.constant 0 : i32
      %dma_wait3A_183 = tpu.memref_slice %arg3[%dma_wait3A_181, %dma_wait3A_182] : memref<1000000x64xf32, #tpu.memory_space<hbm>> -> memref<1000000x64xf32, #tpu.memory_space<hbm>>
      tpu.wait_indirect_dma semaphore(%arg9 : memref<!tpu.dma_semaphore, #tpu.memory_space<semaphore_mem>>) src(%dma_wait3A_183 : memref<1000000x64xf32, #tpu.memory_space<hbm>>) dst(%dma_wait3A_178 : memref<128x64xf32, #tpu.memory_space<vmem>>)
      %dma_wait3A_184 = arith.constant 1 : i32
      %dma_wait3A_185 = arith.constant 128 : i32
      %dma_wait3A_186 = arith.constant 0 : i32
      %dma_wait3A_187 = tpu.memref_slice %arg8[%dma_wait3A_184, %dma_wait3A_185, %dma_wait3A_186] : memref<4x200x64xf32, #tpu.memory_space<vmem>> -> memref<1x72x64xf32, #tpu.memory_space<vmem>>
      %dma_wait3A_188 = tpu.memref_squeeze %dma_wait3A_187 : memref<1x72x64xf32, #tpu.memory_space<vmem>> -> memref<72x64xf32, #tpu.memory_space<vmem>>
      %dma_wait3A_189 = arith.constant 128 : i32
      %dma_wait3A_190 = tpu.memref_slice %arg6[%dma_wait3A_189] : memref<12800xi32, #tpu.memory_space<vmem>> -> memref<72xi32, #tpu.memory_space<vmem>>
      %dma_wait3A_191 = arith.constant 0 : i32
      %dma_wait3A_192 = arith.constant 0 : i32
      %dma_wait3A_193 = tpu.memref_slice %arg3[%dma_wait3A_191, %dma_wait3A_192] : memref<1000000x64xf32, #tpu.memory_space<hbm>> -> memref<1000000x64xf32, #tpu.memory_space<hbm>>
      tpu.wait_indirect_dma semaphore(%arg9 : memref<!tpu.dma_semaphore, #tpu.memory_space<semaphore_mem>>) src(%dma_wait3A_193 : memref<1000000x64xf32, #tpu.memory_space<hbm>>) dst(%dma_wait3A_188 : memref<72x64xf32, #tpu.memory_space<vmem>>)
      %scan3A_194 = arith.constant 0 : i32
      %scan3A_195 = arith.constant 0 : i32
      %scan3A_196 = arith.constant 200 : i32
      %scan3A_197 = arith.addi %scan3A_195, %scan3A_196 : i32
      %scan3A_198 = arith.constant 2 : i32
      scf.for %scan3A_335 = %scan3A_195 to %scan3A_197 step %scan3A_198  : i32 {
        %get3A = arith.constant 1 : i32
        %get3A_336 = arith.index_cast %get3A : i32 to index
        %get3A_337 = arith.index_cast %scan3A_335 : i32 to index
        %get3A_338 = arith.constant 0 : index
        %get3A_339 = tpu.vector_load %arg8[%get3A_336, %get3A_337, %get3A_338] {strides = array<i32>} : memref<4x200x64xf32, #tpu.memory_space<vmem>>, vector<1x1x16xf32>,
        %get3A_340 = vector.shape_cast %get3A_339 : vector<1x1x16xf32> to vector<16xf32>
        %get3A_341 = arith.index_cast %scan3A_335 : i32 to index
        %get3A_342 = arith.constant 0 : index
        %get3A_343 = tpu.vector_load %arg7[%get3A_341, %get3A_342] {strides = array<i32>} : memref<200x64xf32, #tpu.memory_space<vmem>>, vector<1x16xf32>,
        %get3A_344 = vector.shape_cast %get3A_343 : vector<1x16xf32> to vector<16xf32>
        %add3A_345 = arith.addf %get3A_340, %get3A_344 : vector<16xf32>
        %swap3A = arith.constant 1 : i32
        %swap3A_346 = arith.index_cast %swap3A : i32 to index
        %swap3A_347 = arith.index_cast %scan3A_335 : i32 to index
        %swap3A_348 = arith.constant 0 : index
        %swap3A_349 = tpu.vector_load %arg8[%swap3A_346, %swap3A_347, %swap3A_348] {strides = array<i32>} : memref<4x200x64xf32, #tpu.memory_space<vmem>>, vector<1x1x16xf32>,
        %swap3A_350 = vector.shape_cast %swap3A_349 : vector<1x1x16xf32> to vector<16xf32>
        %swap3A_351 = vector.shape_cast %add3A_345 : vector<16xf32> to vector<1x1x16xf32>
        tpu.vector_store %arg8[%swap3A_346, %swap3A_347, %swap3A_348], %swap3A_351 {strides = array<i32>} : memref<4x200x64xf32, #tpu.memory_space<vmem>>, vector<1x1x16xf32>,
        %get3A_352 = arith.constant 1 : i32
        %get3A_353 = arith.index_cast %get3A_352 : i32 to index
        %get3A_354 = arith.index_cast %scan3A_335 : i32 to index
        %get3A_355 = arith.constant 16 : index
        %get3A_356 = tpu.vector_load %arg8[%get3A_353, %get3A_354, %get3A_355] {strides = array<i32>} : memref<4x200x64xf32, #tpu.memory_space<vmem>>, vector<1x1x16xf32>,
        %get3A_357 = vector.shape_cast %get3A_356 : vector<1x1x16xf32> to vector<16xf32>
        %get3A_358 = arith.index_cast %scan3A_335 : i32 to index
        %get3A_359 = arith.constant 16 : index
        %get3A_360 = tpu.vector_load %arg7[%get3A_358, %get3A_359] {strides = array<i32>} : memref<200x64xf32, #tpu.memory_space<vmem>>, vector<1x16xf32>,
        %get3A_361 = vector.shape_cast %get3A_360 : vector<1x16xf32> to vector<16xf32>
        %add3A_362 = arith.addf %get3A_357, %get3A_361 : vector<16xf32>
        %swap3A_363 = arith.constant 1 : i32
        %swap3A_364 = arith.index_cast %swap3A_363 : i32 to index
        %swap3A_365 = arith.index_cast %scan3A_335 : i32 to index
        %swap3A_366 = arith.constant 16 : index
        %swap3A_367 = tpu.vector_load %arg8[%swap3A_364, %swap3A_365, %swap3A_366] {strides = array<i32>} : memref<4x200x64xf32, #tpu.memory_space<vmem>>, vector<1x1x16xf32>,
        %swap3A_368 = vector.shape_cast %swap3A_367 : vector<1x1x16xf32> to vector<16xf32>
        %swap3A_369 = vector.shape_cast %add3A_362 : vector<16xf32> to vector<1x1x16xf32>
        tpu.vector_store %arg8[%swap3A_364, %swap3A_365, %swap3A_366], %swap3A_369 {strides = array<i32>} : memref<4x200x64xf32, #tpu.memory_space<vmem>>, vector<1x1x16xf32>,
        %get3A_370 = arith.constant 1 : i32
        %get3A_371 = arith.index_cast %get3A_370 : i32 to index
        %get3A_372 = arith.index_cast %scan3A_335 : i32 to index
        %get3A_373 = arith.constant 32 : index
        %get3A_374 = tpu.vector_load %arg8[%get3A_371, %get3A_372, %get3A_373] {strides = array<i32>} : memref<4x200x64xf32, #tpu.memory_space<vmem>>, vector<1x1x16xf32>,
        %get3A_375 = vector.shape_cast %get3A_374 : vector<1x1x16xf32> to vector<16xf32>
        %get3A_376 = arith.index_cast %scan3A_335 : i32 to index
        %get3A_377 = arith.constant 32 : index
        %get3A_378 = tpu.vector_load %arg7[%get3A_376, %get3A_377] {strides = array<i32>} : memref<200x64xf32, #tpu.memory_space<vmem>>, vector<1x16xf32>,
        %get3A_379 = vector.shape_cast %get3A_378 : vector<1x16xf32> to vector<16xf32>
        %add3A_380 = arith.addf %get3A_375, %get3A_379 : vector<16xf32>
        %swap3A_381 = arith.constant 1 : i32
        %swap3A_382 = arith.index_cast %swap3A_381 : i32 to index
        %swap3A_383 = arith.index_cast %scan3A_335 : i32 to index
        %swap3A_384 = arith.constant 32 : index
        %swap3A_385 = tpu.vector_load %arg8[%swap3A_382, %swap3A_383, %swap3A_384] {strides = array<i32>} : memref<4x200x64xf32, #tpu.memory_space<vmem>>, vector<1x1x16xf32>,
        %swap3A_386 = vector.shape_cast %swap3A_385 : vector<1x1x16xf32> to vector<16xf32>
        %swap3A_387 = vector.shape_cast %add3A_380 : vector<16xf32> to vector<1x1x16xf32>
        tpu.vector_store %arg8[%swap3A_382, %swap3A_383, %swap3A_384], %swap3A_387 {strides = array<i32>} : memref<4x200x64xf32, #tpu.memory_space<vmem>>, vector<1x1x16xf32>,
        %get3A_388 = arith.constant 1 : i32
        %get3A_389 = arith.index_cast %get3A_388 : i32 to index
        %get3A_390 = arith.index_cast %scan3A_335 : i32 to index
        %get3A_391 = arith.constant 48 : index
        %get3A_392 = tpu.vector_load %arg8[%get3A_389, %get3A_390, %get3A_391] {strides = array<i32>} : memref<4x200x64xf32, #tpu.memory_space<vmem>>, vector<1x1x16xf32>,
        %get3A_393 = vector.shape_cast %get3A_392 : vector<1x1x16xf32> to vector<16xf32>
        %get3A_394 = arith.index_cast %scan3A_335 : i32 to index
        %get3A_395 = arith.constant 48 : index
        %get3A_396 = tpu.vector_load %arg7[%get3A_394, %get3A_395] {strides = array<i32>} : memref<200x64xf32, #tpu.memory_space<vmem>>, vector<1x16xf32>,
        %get3A_397 = vector.shape_cast %get3A_396 : vector<1x16xf32> to vector<16xf32>
        %add3A_398 = arith.addf %get3A_393, %get3A_397 : vector<16xf32>
        %swap3A_399 = arith.constant 1 : i32
        %swap3A_400 = arith.index_cast %swap3A_399 : i32 to index
        %swap3A_401 = arith.index_cast %scan3A_335 : i32 to index
        %swap3A_402 = arith.constant 48 : index
        %swap3A_403 = tpu.vector_load %arg8[%swap3A_400, %swap3A_401, %swap3A_402] {strides = array<i32>} : memref<4x200x64xf32, #tpu.memory_space<vmem>>, vector<1x1x16xf32>,
        %swap3A_404 = vector.shape_cast %swap3A_403 : vector<1x1x16xf32> to vector<16xf32>
        %swap3A_405 = vector.shape_cast %add3A_398 : vector<16xf32> to vector<1x1x16xf32>
        tpu.vector_store %arg8[%swap3A_400, %swap3A_401, %swap3A_402], %swap3A_405 {strides = array<i32>} : memref<4x200x64xf32, #tpu.memory_space<vmem>>, vector<1x1x16xf32>,
        %scan3A_406 = arith.constant 1 : i32
        %scan3A_407 = arith.addi %scan3A_335, %scan3A_406 : i32
        %get3A_408 = arith.constant 1 : i32
        %get3A_409 = arith.index_cast %get3A_408 : i32 to index
        %get3A_410 = arith.index_cast %scan3A_407 : i32 to index
        %get3A_411 = arith.constant 0 : index
        %get3A_412 = tpu.vector_load %arg8[%get3A_409, %get3A_410, %get3A_411] {strides = array<i32>} : memref<4x200x64xf32, #tpu.memory_space<vmem>>, vector<1x1x16xf32>,
        %get3A_413 = vector.shape_cast %get3A_412 : vector<1x1x16xf32> to vector<16xf32>
        %get3A_414 = arith.index_cast %scan3A_407 : i32 to index
        %get3A_415 = arith.constant 0 : index
        %get3A_416 = tpu.vector_load %arg7[%get3A_414, %get3A_415] {strides = array<i32>} : memref<200x64xf32, #tpu.memory_space<vmem>>, vector<1x16xf32>,
        %get3A_417 = vector.shape_cast %get3A_416 : vector<1x16xf32> to vector<16xf32>
        %add3A_418 = arith.addf %get3A_413, %get3A_417 : vector<16xf32>
        %swap3A_419 = arith.constant 1 : i32
        %swap3A_420 = arith.index_cast %swap3A_419 : i32 to index
        %swap3A_421 = arith.index_cast %scan3A_407 : i32 to index
        %swap3A_422 = arith.constant 0 : index
        %swap3A_423 = tpu.vector_load %arg8[%swap3A_420, %swap3A_421, %swap3A_422] {strides = array<i32>} : memref<4x200x64xf32, #tpu.memory_space<vmem>>, vector<1x1x16xf32>,
        %swap3A_424 = vector.shape_cast %swap3A_423 : vector<1x1x16xf32> to vector<16xf32>
        %swap3A_425 = vector.shape_cast %add3A_418 : vector<16xf32> to vector<1x1x16xf32>
        tpu.vector_store %arg8[%swap3A_420, %swap3A_421, %swap3A_422], %swap3A_425 {strides = array<i32>} : memref<4x200x64xf32, #tpu.memory_space<vmem>>, vector<1x1x16xf32>,
        %get3A_426 = arith.constant 1 : i32
        %get3A_427 = arith.index_cast %get3A_426 : i32 to index
        %get3A_428 = arith.index_cast %scan3A_407 : i32 to index
        %get3A_429 = arith.constant 16 : index
        %get3A_430 = tpu.vector_load %arg8[%get3A_427, %get3A_428, %get3A_429] {strides = array<i32>} : memref<4x200x64xf32, #tpu.memory_space<vmem>>, vector<1x1x16xf32>,
        %get3A_431 = vector.shape_cast %get3A_430 : vector<1x1x16xf32> to vector<16xf32>
        %get3A_432 = arith.index_cast %scan3A_407 : i32 to index
        %get3A_433 = arith.constant 16 : index
        %get3A_434 = tpu.vector_load %arg7[%get3A_432, %get3A_433] {strides = array<i32>} : memref<200x64xf32, #tpu.memory_space<vmem>>, vector<1x16xf32>,
        %get3A_435 = vector.shape_cast %get3A_434 : vector<1x16xf32> to vector<16xf32>
        %add3A_436 = arith.addf %get3A_431, %get3A_435 : vector<16xf32>
        %swap3A_437 = arith.constant 1 : i32
        %swap3A_438 = arith.index_cast %swap3A_437 : i32 to index
        %swap3A_439 = arith.index_cast %scan3A_407 : i32 to index
        %swap3A_440 = arith.constant 16 : index
        %swap3A_441 = tpu.vector_load %arg8[%swap3A_438, %swap3A_439, %swap3A_440] {strides = array<i32>} : memref<4x200x64xf32, #tpu.memory_space<vmem>>, vector<1x1x16xf32>,
        %swap3A_442 = vector.shape_cast %swap3A_441 : vector<1x1x16xf32> to vector<16xf32>
        %swap3A_443 = vector.shape_cast %add3A_436 : vector<16xf32> to vector<1x1x16xf32>
        tpu.vector_store %arg8[%swap3A_438, %swap3A_439, %swap3A_440], %swap3A_443 {strides = array<i32>} : memref<4x200x64xf32, #tpu.memory_space<vmem>>, vector<1x1x16xf32>,
        %get3A_444 = arith.constant 1 : i32
        %get3A_445 = arith.index_cast %get3A_444 : i32 to index
        %get3A_446 = arith.index_cast %scan3A_407 : i32 to index
        %get3A_447 = arith.constant 32 : index
        %get3A_448 = tpu.vector_load %arg8[%get3A_445, %get3A_446, %get3A_447] {strides = array<i32>} : memref<4x200x64xf32, #tpu.memory_space<vmem>>, vector<1x1x16xf32>,
        %get3A_449 = vector.shape_cast %get3A_448 : vector<1x1x16xf32> to vector<16xf32>
        %get3A_450 = arith.index_cast %scan3A_407 : i32 to index
        %get3A_451 = arith.constant 32 : index
        %get3A_452 = tpu.vector_load %arg7[%get3A_450, %get3A_451] {strides = array<i32>} : memref<200x64xf32, #tpu.memory_space<vmem>>, vector<1x16xf32>,
        %get3A_453 = vector.shape_cast %get3A_452 : vector<1x16xf32> to vector<16xf32>
        %add3A_454 = arith.addf %get3A_449, %get3A_453 : vector<16xf32>
        %swap3A_455 = arith.constant 1 : i32
        %swap3A_456 = arith.index_cast %swap3A_455 : i32 to index
        %swap3A_457 = arith.index_cast %scan3A_407 : i32 to index
        %swap3A_458 = arith.constant 32 : index
        %swap3A_459 = tpu.vector_load %arg8[%swap3A_456, %swap3A_457, %swap3A_458] {strides = array<i32>} : memref<4x200x64xf32, #tpu.memory_space<vmem>>, vector<1x1x16xf32>,
        %swap3A_460 = vector.shape_cast %swap3A_459 : vector<1x1x16xf32> to vector<16xf32>
        %swap3A_461 = vector.shape_cast %add3A_454 : vector<16xf32> to vector<1x1x16xf32>
        tpu.vector_store %arg8[%swap3A_456, %swap3A_457, %swap3A_458], %swap3A_461 {strides = array<i32>} : memref<4x200x64xf32, #tpu.memory_space<vmem>>, vector<1x1x16xf32>,
        %get3A_462 = arith.constant 1 : i32
        %get3A_463 = arith.index_cast %get3A_462 : i32 to index
        %get3A_464 = arith.index_cast %scan3A_407 : i32 to index
        %get3A_465 = arith.constant 48 : index
        %get3A_466 = tpu.vector_load %arg8[%get3A_463, %get3A_464, %get3A_465] {strides = array<i32>} : memref<4x200x64xf32, #tpu.memory_space<vmem>>, vector<1x1x16xf32>,
        %get3A_467 = vector.shape_cast %get3A_466 : vector<1x1x16xf32> to vector<16xf32>
        %get3A_468 = arith.index_cast %scan3A_407 : i32 to index
        %get3A_469 = arith.constant 48 : index
        %get3A_470 = tpu.vector_load %arg7[%get3A_468, %get3A_469] {strides = array<i32>} : memref<200x64xf32, #tpu.memory_space<vmem>>, vector<1x16xf32>,
        %get3A_471 = vector.shape_cast %get3A_470 : vector<1x16xf32> to vector<16xf32>
        %add3A_472 = arith.addf %get3A_467, %get3A_471 : vector<16xf32>
        %swap3A_473 = arith.constant 1 : i32
        %swap3A_474 = arith.index_cast %swap3A_473 : i32 to index
        %swap3A_475 = arith.index_cast %scan3A_407 : i32 to index
        %swap3A_476 = arith.constant 48 : index
        %swap3A_477 = tpu.vector_load %arg8[%swap3A_474, %swap3A_475, %swap3A_476] {strides = array<i32>} : memref<4x200x64xf32, #tpu.memory_space<vmem>>, vector<1x1x16xf32>,
        %swap3A_478 = vector.shape_cast %swap3A_477 : vector<1x1x16xf32> to vector<16xf32>
        %swap3A_479 = vector.shape_cast %add3A_472 : vector<16xf32> to vector<1x1x16xf32>
        tpu.vector_store %arg8[%swap3A_474, %swap3A_475, %swap3A_476], %swap3A_479 {strides = array<i32>} : memref<4x200x64xf32, #tpu.memory_space<vmem>>, vector<1x1x16xf32>,
      }
      %scan3A_199 = arith.constant 200 : i32
      %mul3A_200 = arith.constant 200 : i32
      %mul3A_201 = arith.muli %add3A_173, %mul3A_200 : i32
      %add3A_202 = arith.addi %mul3A_2, %mul3A_201 : i32
      %dma_start3A_203 = arith.constant 1 : i32
      %dma_start3A_204 = arith.constant 0 : i32
      %dma_start3A_205 = arith.constant 0 : i32
      %dma_start3A_206 = tpu.memref_slice %arg8[%dma_start3A_203, %dma_start3A_204, %dma_start3A_205] : memref<4x200x64xf32, #tpu.memory_space<vmem>> -> memref<1x200x64xf32, #tpu.memory_space<vmem>>
      %dma_start3A_207 = tpu.memref_squeeze %dma_start3A_206 : memref<1x200x64xf32, #tpu.memory_space<vmem>> -> memref<200x64xf32, #tpu.memory_space<vmem>>
      %dma_start3A_208 = arith.constant 0 : i32
      %dma_start3A_209 = tpu.memref_slice %arg5[%add3A_202, %dma_start3A_208] : memref<409600x64xf32, #tpu.memory_space<hbm>> -> memref<200x64xf32, #tpu.memory_space<hbm>>
      %dma_start3A_210 = arith.constant 0 : i32
      %dma_start3A_211 = tpu.memref_slice %arg5[%add3A_202, %dma_start3A_210] : memref<409600x64xf32, #tpu.memory_space<hbm>> -> memref<200x64xf32, #tpu.memory_space<hbm>>
      %dma_start3A_212 = arith.constant 0 : i32
      %dma_start3A_213 = arith.constant 0 : i32
      %dma_start3A_214 = tpu.memref_slice %arg8[%dma_start3A_203, %dma_start3A_212, %dma_start3A_213] : memref<4x200x64xf32, #tpu.memory_space<vmem>> -> memref<1x200x64xf32, #tpu.memory_space<vmem>>
      %dma_start3A_215 = tpu.memref_squeeze %dma_start3A_214 : memref<1x200x64xf32, #tpu.memory_space<vmem>> -> memref<200x64xf32, #tpu.memory_space<vmem>>
      tpu.enqueue_dma source(%dma_start3A_215 : memref<200x64xf32, #tpu.memory_space<vmem>>) target(%dma_start3A_211 : memref<200x64xf32, #tpu.memory_space<hbm>>) target_semaphore(%arg10 : memref<!tpu.dma_semaphore, #tpu.memory_space<semaphore_mem>>)
      %add3A_216 = arith.constant 4 : i32
      %add3A_217 = arith.addi %add3A_173, %add3A_216 : i32
      %sub3A_218 = arith.constant 1 : i32
      %sub3A_219 = arith.subi %add3A_217, %sub3A_218 : i32
      %lt3A_220 = arith.constant 64 : i32
      %lt3A_221 = arith.cmpi slt, %sub3A_219, %lt3A_220 : i32
      %convert_element_type3A_222 = arith.extui %lt3A_221 : i1 to i32
      %cond3A_223 = arith.constant 0 : i32
      %cond3A_224 = arith.cmpi ne, %convert_element_type3A_222, %cond3A_223 : i32
      scf.if %cond3A_224 {
        %ge3A = arith.constant 1 : i32
        %ge3A_335 = arith.cmpi sge, %add3A_173, %ge3A : i32
        %convert_element_type3A_336 = arith.extui %ge3A_335 : i1 to i32
        %cond3A_337 = arith.constant 0 : i32
        %cond3A_338 = arith.cmpi ne, %convert_element_type3A_336, %cond3A_337 : i32
        scf.if %cond3A_338 {
          %dma_wait3A_367 = arith.constant 0 : i32
          %dma_wait3A_368 = arith.constant 0 : i32
          %dma_wait3A_369 = arith.constant 0 : i32
          %dma_wait3A_370 = tpu.memref_slice %arg8[%dma_wait3A_367, %dma_wait3A_368, %dma_wait3A_369] : memref<4x200x64xf32, #tpu.memory_space<vmem>> -> memref<1x200x64xf32, #tpu.memory_space<vmem>>
          %dma_wait3A_371 = tpu.memref_squeeze %dma_wait3A_370 : memref<1x200x64xf32, #tpu.memory_space<vmem>> -> memref<200x64xf32, #tpu.memory_space<vmem>>
          %dma_wait3A_372 = arith.constant 0 : i32
          %dma_wait3A_373 = tpu.memref_slice %arg5[%mul3A_2, %dma_wait3A_372] : memref<409600x64xf32, #tpu.memory_space<hbm>> -> memref<200x64xf32, #tpu.memory_space<hbm>>
          %dma_wait3A_374 = arith.constant 0 : i32
          %dma_wait3A_375 = tpu.memref_slice %arg5[%mul3A_2, %dma_wait3A_374] : memref<409600x64xf32, #tpu.memory_space<hbm>> -> memref<200x64xf32, #tpu.memory_space<hbm>>
          %dma_wait3A_376 = arith.constant 0 : i32
          %dma_wait3A_377 = arith.constant 0 : i32
          %dma_wait3A_378 = tpu.memref_slice %arg8[%dma_wait3A_367, %dma_wait3A_376, %dma_wait3A_377] : memref<4x200x64xf32, #tpu.memory_space<vmem>> -> memref<1x200x64xf32, #tpu.memory_space<vmem>>
          %dma_wait3A_379 = tpu.memref_squeeze %dma_wait3A_378 : memref<1x200x64xf32, #tpu.memory_space<vmem>> -> memref<200x64xf32, #tpu.memory_space<vmem>>
          tpu.wait_dma2 semaphore(%arg10 : memref<!tpu.dma_semaphore, #tpu.memory_space<semaphore_mem>>) src(%dma_wait3A_379 : memref<200x64xf32, #tpu.memory_space<vmem>>) dst(%dma_wait3A_375 : memref<200x64xf32, #tpu.memory_space<hbm>>)
        } else {
        }
        %add3A_339 = arith.constant 4 : i32
        %add3A_340 = arith.addi %add3A_173, %add3A_339 : i32
        %sub3A_341 = arith.constant 1 : i32
        %sub3A_342 = arith.subi %add3A_340, %sub3A_341 : i32
        %mul3A_343 = arith.constant 200 : i32
        %mul3A_344 = arith.muli %sub3A_342, %mul3A_343 : i32
        %add3A_345 = arith.constant 0 : i32
        %add3A_346 = arith.addi %mul3A_344, %add3A_345 : i32
        %dma_start3A_347 = arith.constant 0 : i32
        %dma_start3A_348 = arith.constant 0 : i32
        %dma_start3A_349 = arith.constant 0 : i32
        %dma_start3A_350 = tpu.memref_slice %arg8[%dma_start3A_347, %dma_start3A_348, %dma_start3A_349] : memref<4x200x64xf32, #tpu.memory_space<vmem>> -> memref<1x128x64xf32, #tpu.memory_space<vmem>>
        %dma_start3A_351 = tpu.memref_squeeze %dma_start3A_350 : memref<1x128x64xf32, #tpu.memory_space<vmem>> -> memref<128x64xf32, #tpu.memory_space<vmem>>
        %dma_start3A_352 = tpu.memref_slice %arg6[%add3A_346] : memref<12800xi32, #tpu.memory_space<vmem>> -> memref<128xi32, #tpu.memory_space<vmem>>
        %dma_start3A_353 = arith.constant 0 : i32
        %dma_start3A_354 = arith.constant 0 : i32
        %dma_start3A_355 = tpu.memref_slice %arg3[%dma_start3A_353, %dma_start3A_354] : memref<1000000x64xf32, #tpu.memory_space<hbm>> -> memref<1000000x64xf32, #tpu.memory_space<hbm>>
        tpu.enqueue_indirect_dma source(%dma_start3A_355 : memref<1000000x64xf32, #tpu.memory_space<hbm>>) target(%dma_start3A_351 : memref<128x64xf32, #tpu.memory_space<vmem>>) offsets(%dma_start3A_352 : memref<128xi32, #tpu.memory_space<vmem>>) semaphore(%arg9 : memref<!tpu.dma_semaphore, #tpu.memory_space<semaphore_mem>>)
        %add3A_356 = arith.constant 128 : i32
        %add3A_357 = arith.addi %mul3A_344, %add3A_356 : i32
        %dma_start3A_358 = arith.constant 0 : i32
        %dma_start3A_359 = arith.constant 128 : i32
        %dma_start3A_360 = arith.constant 0 : i32
        %dma_start3A_361 = tpu.memref_slice %arg8[%dma_start3A_358, %dma_start3A_359, %dma_start3A_360] : memref<4x200x64xf32, #tpu.memory_space<vmem>> -> memref<1x72x64xf32, #tpu.memory_space<vmem>>
        %dma_start3A_362 = tpu.memref_squeeze %dma_start3A_361 : memref<1x72x64xf32, #tpu.memory_space<vmem>> -> memref<72x64xf32, #tpu.memory_space<vmem>>
        %dma_start3A_363 = tpu.memref_slice %arg6[%add3A_357] : memref<12800xi32, #tpu.memory_space<vmem>> -> memref<72xi32, #tpu.memory_space<vmem>>
        %dma_start3A_364 = arith.constant 0 : i32
        %dma_start3A_365 = arith.constant 0 : i32
        %dma_start3A_366 = tpu.memref_slice %arg3[%dma_start3A_364, %dma_start3A_365] : memref<1000000x64xf32, #tpu.memory_space<hbm>> -> memref<1000000x64xf32, #tpu.memory_space<hbm>>
        tpu.enqueue_indirect_dma source(%dma_start3A_366 : memref<1000000x64xf32, #tpu.memory_space<hbm>>) target(%dma_start3A_362 : memref<72x64xf32, #tpu.memory_space<vmem>>) offsets(%dma_start3A_363 : memref<72xi32, #tpu.memory_space<vmem>>) semaphore(%arg9 : memref<!tpu.dma_semaphore, #tpu.memory_space<semaphore_mem>>)
      } else {
      }
      %mul3A_225 = arith.constant 4 : i32
      %mul3A_226 = arith.muli %mul3A_225, %scan3A_118 : i32
      %add3A_227 = arith.constant 2 : i32
      %add3A_228 = arith.addi %mul3A_226, %add3A_227 : i32
      %dma_wait3A_229 = arith.constant 2 : i32
      %dma_wait3A_230 = arith.constant 0 : i32
      %dma_wait3A_231 = arith.constant 0 : i32
      %dma_wait3A_232 = tpu.memref_slice %arg8[%dma_wait3A_229, %dma_wait3A_230, %dma_wait3A_231] : memref<4x200x64xf32, #tpu.memory_space<vmem>> -> memref<1x128x64xf32, #tpu.memory_space<vmem>>
      %dma_wait3A_233 = tpu.memref_squeeze %dma_wait3A_232 : memref<1x128x64xf32, #tpu.memory_space<vmem>> -> memref<128x64xf32, #tpu.memory_space<vmem>>
      %dma_wait3A_234 = arith.constant 0 : i32
      %dma_wait3A_235 = tpu.memref_slice %arg6[%dma_wait3A_234] : memref<12800xi32, #tpu.memory_space<vmem>> -> memref<128xi32, #tpu.memory_space<vmem>>
      %dma_wait3A_236 = arith.constant 0 : i32
      %dma_wait3A_237 = arith.constant 0 : i32
      %dma_wait3A_238 = tpu.memref_slice %arg3[%dma_wait3A_236, %dma_wait3A_237] : memref<1000000x64xf32, #tpu.memory_space<hbm>> -> memref<1000000x64xf32, #tpu.memory_space<hbm>>
      tpu.wait_indirect_dma semaphore(%arg9 : memref<!tpu.dma_semaphore, #tpu.memory_space<semaphore_mem>>) src(%dma_wait3A_238 : memref<1000000x64xf32, #tpu.memory_space<hbm>>) dst(%dma_wait3A_233 : memref<128x64xf32, #tpu.memory_space<vmem>>)
      %dma_wait3A_239 = arith.constant 2 : i32
      %dma_wait3A_240 = arith.constant 128 : i32
      %dma_wait3A_241 = arith.constant 0 : i32
      %dma_wait3A_242 = tpu.memref_slice %arg8[%dma_wait3A_239, %dma_wait3A_240, %dma_wait3A_241] : memref<4x200x64xf32, #tpu.memory_space<vmem>> -> memref<1x72x64xf32, #tpu.memory_space<vmem>>
      %dma_wait3A_243 = tpu.memref_squeeze %dma_wait3A_242 : memref<1x72x64xf32, #tpu.memory_space<vmem>> -> memref<72x64xf32, #tpu.memory_space<vmem>>
      %dma_wait3A_244 = arith.constant 128 : i32
      %dma_wait3A_245 = tpu.memref_slice %arg6[%dma_wait3A_244] : memref<12800xi32, #tpu.memory_space<vmem>> -> memref<72xi32, #tpu.memory_space<vmem>>
      %dma_wait3A_246 = arith.constant 0 : i32
      %dma_wait3A_247 = arith.constant 0 : i32
      %dma_wait3A_248 = tpu.memref_slice %arg3[%dma_wait3A_246, %dma_wait3A_247] : memref<1000000x64xf32, #tpu.memory_space<hbm>> -> memref<1000000x64xf32, #tpu.memory_space<hbm>>
      tpu.wait_indirect_dma semaphore(%arg9 : memref<!tpu.dma_semaphore, #tpu.memory_space<semaphore_mem>>) src(%dma_wait3A_248 : memref<1000000x64xf32, #tpu.memory_space<hbm>>) dst(%dma_wait3A_243 : memref<72x64xf32, #tpu.memory_space<vmem>>)
      %scan3A_249 = arith.constant 0 : i32
      %scan3A_250 = arith.constant 0 : i32
      %scan3A_251 = arith.constant 200 : i32
      %scan3A_252 = arith.addi %scan3A_250, %scan3A_251 : i32
      %scan3A_253 = arith.constant 2 : i32
      scf.for %scan3A_335 = %scan3A_250 to %scan3A_252 step %scan3A_253  : i32 {
        %get3A = arith.constant 2 : i32
        %get3A_336 = arith.index_cast %get3A : i32 to index
        %get3A_337 = arith.index_cast %scan3A_335 : i32 to index
        %get3A_338 = arith.constant 0 : index
        %get3A_339 = tpu.vector_load %arg8[%get3A_336, %get3A_337, %get3A_338] {strides = array<i32>} : memref<4x200x64xf32, #tpu.memory_space<vmem>>, vector<1x1x16xf32>,
        %get3A_340 = vector.shape_cast %get3A_339 : vector<1x1x16xf32> to vector<16xf32>
        %get3A_341 = arith.index_cast %scan3A_335 : i32 to index
        %get3A_342 = arith.constant 0 : index
        %get3A_343 = tpu.vector_load %arg7[%get3A_341, %get3A_342] {strides = array<i32>} : memref<200x64xf32, #tpu.memory_space<vmem>>, vector<1x16xf32>,
        %get3A_344 = vector.shape_cast %get3A_343 : vector<1x16xf32> to vector<16xf32>
        %add3A_345 = arith.addf %get3A_340, %get3A_344 : vector<16xf32>
        %swap3A = arith.constant 2 : i32
        %swap3A_346 = arith.index_cast %swap3A : i32 to index
        %swap3A_347 = arith.index_cast %scan3A_335 : i32 to index
        %swap3A_348 = arith.constant 0 : index
        %swap3A_349 = tpu.vector_load %arg8[%swap3A_346, %swap3A_347, %swap3A_348] {strides = array<i32>} : memref<4x200x64xf32, #tpu.memory_space<vmem>>, vector<1x1x16xf32>,
        %swap3A_350 = vector.shape_cast %swap3A_349 : vector<1x1x16xf32> to vector<16xf32>
        %swap3A_351 = vector.shape_cast %add3A_345 : vector<16xf32> to vector<1x1x16xf32>
        tpu.vector_store %arg8[%swap3A_346, %swap3A_347, %swap3A_348], %swap3A_351 {strides = array<i32>} : memref<4x200x64xf32, #tpu.memory_space<vmem>>, vector<1x1x16xf32>,
        %get3A_352 = arith.constant 2 : i32
        %get3A_353 = arith.index_cast %get3A_352 : i32 to index
        %get3A_354 = arith.index_cast %scan3A_335 : i32 to index
        %get3A_355 = arith.constant 16 : index
        %get3A_356 = tpu.vector_load %arg8[%get3A_353, %get3A_354, %get3A_355] {strides = array<i32>} : memref<4x200x64xf32, #tpu.memory_space<vmem>>, vector<1x1x16xf32>,
        %get3A_357 = vector.shape_cast %get3A_356 : vector<1x1x16xf32> to vector<16xf32>
        %get3A_358 = arith.index_cast %scan3A_335 : i32 to index
        %get3A_359 = arith.constant 16 : index
        %get3A_360 = tpu.vector_load %arg7[%get3A_358, %get3A_359] {strides = array<i32>} : memref<200x64xf32, #tpu.memory_space<vmem>>, vector<1x16xf32>,
        %get3A_361 = vector.shape_cast %get3A_360 : vector<1x16xf32> to vector<16xf32>
        %add3A_362 = arith.addf %get3A_357, %get3A_361 : vector<16xf32>
        %swap3A_363 = arith.constant 2 : i32
        %swap3A_364 = arith.index_cast %swap3A_363 : i32 to index
        %swap3A_365 = arith.index_cast %scan3A_335 : i32 to index
        %swap3A_366 = arith.constant 16 : index
        %swap3A_367 = tpu.vector_load %arg8[%swap3A_364, %swap3A_365, %swap3A_366] {strides = array<i32>} : memref<4x200x64xf32, #tpu.memory_space<vmem>>, vector<1x1x16xf32>,
        %swap3A_368 = vector.shape_cast %swap3A_367 : vector<1x1x16xf32> to vector<16xf32>
        %swap3A_369 = vector.shape_cast %add3A_362 : vector<16xf32> to vector<1x1x16xf32>
        tpu.vector_store %arg8[%swap3A_364, %swap3A_365, %swap3A_366], %swap3A_369 {strides = array<i32>} : memref<4x200x64xf32, #tpu.memory_space<vmem>>, vector<1x1x16xf32>,
        %get3A_370 = arith.constant 2 : i32
        %get3A_371 = arith.index_cast %get3A_370 : i32 to index
        %get3A_372 = arith.index_cast %scan3A_335 : i32 to index
        %get3A_373 = arith.constant 32 : index
        %get3A_374 = tpu.vector_load %arg8[%get3A_371, %get3A_372, %get3A_373] {strides = array<i32>} : memref<4x200x64xf32, #tpu.memory_space<vmem>>, vector<1x1x16xf32>,
        %get3A_375 = vector.shape_cast %get3A_374 : vector<1x1x16xf32> to vector<16xf32>
        %get3A_376 = arith.index_cast %scan3A_335 : i32 to index
        %get3A_377 = arith.constant 32 : index
        %get3A_378 = tpu.vector_load %arg7[%get3A_376, %get3A_377] {strides = array<i32>} : memref<200x64xf32, #tpu.memory_space<vmem>>, vector<1x16xf32>,
        %get3A_379 = vector.shape_cast %get3A_378 : vector<1x16xf32> to vector<16xf32>
        %add3A_380 = arith.addf %get3A_375, %get3A_379 : vector<16xf32>
        %swap3A_381 = arith.constant 2 : i32
        %swap3A_382 = arith.index_cast %swap3A_381 : i32 to index
        %swap3A_383 = arith.index_cast %scan3A_335 : i32 to index
        %swap3A_384 = arith.constant 32 : index
        %swap3A_385 = tpu.vector_load %arg8[%swap3A_382, %swap3A_383, %swap3A_384] {strides = array<i32>} : memref<4x200x64xf32, #tpu.memory_space<vmem>>, vector<1x1x16xf32>,
        %swap3A_386 = vector.shape_cast %swap3A_385 : vector<1x1x16xf32> to vector<16xf32>
        %swap3A_387 = vector.shape_cast %add3A_380 : vector<16xf32> to vector<1x1x16xf32>
        tpu.vector_store %arg8[%swap3A_382, %swap3A_383, %swap3A_384], %swap3A_387 {strides = array<i32>} : memref<4x200x64xf32, #tpu.memory_space<vmem>>, vector<1x1x16xf32>,
        %get3A_388 = arith.constant 2 : i32
        %get3A_389 = arith.index_cast %get3A_388 : i32 to index
        %get3A_390 = arith.index_cast %scan3A_335 : i32 to index
        %get3A_391 = arith.constant 48 : index
        %get3A_392 = tpu.vector_load %arg8[%get3A_389, %get3A_390, %get3A_391] {strides = array<i32>} : memref<4x200x64xf32, #tpu.memory_space<vmem>>, vector<1x1x16xf32>,
        %get3A_393 = vector.shape_cast %get3A_392 : vector<1x1x16xf32> to vector<16xf32>
        %get3A_394 = arith.index_cast %scan3A_335 : i32 to index
        %get3A_395 = arith.constant 48 : index
        %get3A_396 = tpu.vector_load %arg7[%get3A_394, %get3A_395] {strides = array<i32>} : memref<200x64xf32, #tpu.memory_space<vmem>>, vector<1x16xf32>,
        %get3A_397 = vector.shape_cast %get3A_396 : vector<1x16xf32> to vector<16xf32>
        %add3A_398 = arith.addf %get3A_393, %get3A_397 : vector<16xf32>
        %swap3A_399 = arith.constant 2 : i32
        %swap3A_400 = arith.index_cast %swap3A_399 : i32 to index
        %swap3A_401 = arith.index_cast %scan3A_335 : i32 to index
        %swap3A_402 = arith.constant 48 : index
        %swap3A_403 = tpu.vector_load %arg8[%swap3A_400, %swap3A_401, %swap3A_402] {strides = array<i32>} : memref<4x200x64xf32, #tpu.memory_space<vmem>>, vector<1x1x16xf32>,
        %swap3A_404 = vector.shape_cast %swap3A_403 : vector<1x1x16xf32> to vector<16xf32>
        %swap3A_405 = vector.shape_cast %add3A_398 : vector<16xf32> to vector<1x1x16xf32>
        tpu.vector_store %arg8[%swap3A_400, %swap3A_401, %swap3A_402], %swap3A_405 {strides = array<i32>} : memref<4x200x64xf32, #tpu.memory_space<vmem>>, vector<1x1x16xf32>,
        %scan3A_406 = arith.constant 1 : i32
        %scan3A_407 = arith.addi %scan3A_335, %scan3A_406 : i32
        %get3A_408 = arith.constant 2 : i32
        %get3A_409 = arith.index_cast %get3A_408 : i32 to index
        %get3A_410 = arith.index_cast %scan3A_407 : i32 to index
        %get3A_411 = arith.constant 0 : index
        %get3A_412 = tpu.vector_load %arg8[%get3A_409, %get3A_410, %get3A_411] {strides = array<i32>} : memref<4x200x64xf32, #tpu.memory_space<vmem>>, vector<1x1x16xf32>,
        %get3A_413 = vector.shape_cast %get3A_412 : vector<1x1x16xf32> to vector<16xf32>
        %get3A_414 = arith.index_cast %scan3A_407 : i32 to index
        %get3A_415 = arith.constant 0 : index
        %get3A_416 = tpu.vector_load %arg7[%get3A_414, %get3A_415] {strides = array<i32>} : memref<200x64xf32, #tpu.memory_space<vmem>>, vector<1x16xf32>,
        %get3A_417 = vector.shape_cast %get3A_416 : vector<1x16xf32> to vector<16xf32>
        %add3A_418 = arith.addf %get3A_413, %get3A_417 : vector<16xf32>
        %swap3A_419 = arith.constant 2 : i32
        %swap3A_420 = arith.index_cast %swap3A_419 : i32 to index
        %swap3A_421 = arith.index_cast %scan3A_407 : i32 to index
        %swap3A_422 = arith.constant 0 : index
        %swap3A_423 = tpu.vector_load %arg8[%swap3A_420, %swap3A_421, %swap3A_422] {strides = array<i32>} : memref<4x200x64xf32, #tpu.memory_space<vmem>>, vector<1x1x16xf32>,
        %swap3A_424 = vector.shape_cast %swap3A_423 : vector<1x1x16xf32> to vector<16xf32>
        %swap3A_425 = vector.shape_cast %add3A_418 : vector<16xf32> to vector<1x1x16xf32>
        tpu.vector_store %arg8[%swap3A_420, %swap3A_421, %swap3A_422], %swap3A_425 {strides = array<i32>} : memref<4x200x64xf32, #tpu.memory_space<vmem>>, vector<1x1x16xf32>,
        %get3A_426 = arith.constant 2 : i32
        %get3A_427 = arith.index_cast %get3A_426 : i32 to index
        %get3A_428 = arith.index_cast %scan3A_407 : i32 to index
        %get3A_429 = arith.constant 16 : index
        %get3A_430 = tpu.vector_load %arg8[%get3A_427, %get3A_428, %get3A_429] {strides = array<i32>} : memref<4x200x64xf32, #tpu.memory_space<vmem>>, vector<1x1x16xf32>,
        %get3A_431 = vector.shape_cast %get3A_430 : vector<1x1x16xf32> to vector<16xf32>
        %get3A_432 = arith.index_cast %scan3A_407 : i32 to index
        %get3A_433 = arith.constant 16 : index
        %get3A_434 = tpu.vector_load %arg7[%get3A_432, %get3A_433] {strides = array<i32>} : memref<200x64xf32, #tpu.memory_space<vmem>>, vector<1x16xf32>,
        %get3A_435 = vector.shape_cast %get3A_434 : vector<1x16xf32> to vector<16xf32>
        %add3A_436 = arith.addf %get3A_431, %get3A_435 : vector<16xf32>
        %swap3A_437 = arith.constant 2 : i32
        %swap3A_438 = arith.index_cast %swap3A_437 : i32 to index
        %swap3A_439 = arith.index_cast %scan3A_407 : i32 to index
        %swap3A_440 = arith.constant 16 : index
        %swap3A_441 = tpu.vector_load %arg8[%swap3A_438, %swap3A_439, %swap3A_440] {strides = array<i32>} : memref<4x200x64xf32, #tpu.memory_space<vmem>>, vector<1x1x16xf32>,
        %swap3A_442 = vector.shape_cast %swap3A_441 : vector<1x1x16xf32> to vector<16xf32>
        %swap3A_443 = vector.shape_cast %add3A_436 : vector<16xf32> to vector<1x1x16xf32>
        tpu.vector_store %arg8[%swap3A_438, %swap3A_439, %swap3A_440], %swap3A_443 {strides = array<i32>} : memref<4x200x64xf32, #tpu.memory_space<vmem>>, vector<1x1x16xf32>,
        %get3A_444 = arith.constant 2 : i32
        %get3A_445 = arith.index_cast %get3A_444 : i32 to index
        %get3A_446 = arith.index_cast %scan3A_407 : i32 to index
        %get3A_447 = arith.constant 32 : index
        %get3A_448 = tpu.vector_load %arg8[%get3A_445, %get3A_446, %get3A_447] {strides = array<i32>} : memref<4x200x64xf32, #tpu.memory_space<vmem>>, vector<1x1x16xf32>,
        %get3A_449 = vector.shape_cast %get3A_448 : vector<1x1x16xf32> to vector<16xf32>
        %get3A_450 = arith.index_cast %scan3A_407 : i32 to index
        %get3A_451 = arith.constant 32 : index
        %get3A_452 = tpu.vector_load %arg7[%get3A_450, %get3A_451] {strides = array<i32>} : memref<200x64xf32, #tpu.memory_space<vmem>>, vector<1x16xf32>,
        %get3A_453 = vector.shape_cast %get3A_452 : vector<1x16xf32> to vector<16xf32>
        %add3A_454 = arith.addf %get3A_449, %get3A_453 : vector<16xf32>
        %swap3A_455 = arith.constant 2 : i32
        %swap3A_456 = arith.index_cast %swap3A_455 : i32 to index
        %swap3A_457 = arith.index_cast %scan3A_407 : i32 to index
        %swap3A_458 = arith.constant 32 : index
        %swap3A_459 = tpu.vector_load %arg8[%swap3A_456, %swap3A_457, %swap3A_458] {strides = array<i32>} : memref<4x200x64xf32, #tpu.memory_space<vmem>>, vector<1x1x16xf32>,
        %swap3A_460 = vector.shape_cast %swap3A_459 : vector<1x1x16xf32> to vector<16xf32>
        %swap3A_461 = vector.shape_cast %add3A_454 : vector<16xf32> to vector<1x1x16xf32>
        tpu.vector_store %arg8[%swap3A_456, %swap3A_457, %swap3A_458], %swap3A_461 {strides = array<i32>} : memref<4x200x64xf32, #tpu.memory_space<vmem>>, vector<1x1x16xf32>,
        %get3A_462 = arith.constant 2 : i32
        %get3A_463 = arith.index_cast %get3A_462 : i32 to index
        %get3A_464 = arith.index_cast %scan3A_407 : i32 to index
        %get3A_465 = arith.constant 48 : index
        %get3A_466 = tpu.vector_load %arg8[%get3A_463, %get3A_464, %get3A_465] {strides = array<i32>} : memref<4x200x64xf32, #tpu.memory_space<vmem>>, vector<1x1x16xf32>,
        %get3A_467 = vector.shape_cast %get3A_466 : vector<1x1x16xf32> to vector<16xf32>
        %get3A_468 = arith.index_cast %scan3A_407 : i32 to index
        %get3A_469 = arith.constant 48 : index
        %get3A_470 = tpu.vector_load %arg7[%get3A_468, %get3A_469] {strides = array<i32>} : memref<200x64xf32, #tpu.memory_space<vmem>>, vector<1x16xf32>,
        %get3A_471 = vector.shape_cast %get3A_470 : vector<1x16xf32> to vector<16xf32>
        %add3A_472 = arith.addf %get3A_467, %get3A_471 : vector<16xf32>
        %swap3A_473 = arith.constant 2 : i32
        %swap3A_474 = arith.index_cast %swap3A_473 : i32 to index
        %swap3A_475 = arith.index_cast %scan3A_407 : i32 to index
        %swap3A_476 = arith.constant 48 : index
        %swap3A_477 = tpu.vector_load %arg8[%swap3A_474, %swap3A_475, %swap3A_476] {strides = array<i32>} : memref<4x200x64xf32, #tpu.memory_space<vmem>>, vector<1x1x16xf32>,
        %swap3A_478 = vector.shape_cast %swap3A_477 : vector<1x1x16xf32> to vector<16xf32>
        %swap3A_479 = vector.shape_cast %add3A_472 : vector<16xf32> to vector<1x1x16xf32>
        tpu.vector_store %arg8[%swap3A_474, %swap3A_475, %swap3A_476], %swap3A_479 {strides = array<i32>} : memref<4x200x64xf32, #tpu.memory_space<vmem>>, vector<1x1x16xf32>,
      }
      %scan3A_254 = arith.constant 200 : i32
      %mul3A_255 = arith.constant 200 : i32
      %mul3A_256 = arith.muli %add3A_228, %mul3A_255 : i32
      %add3A_257 = arith.addi %mul3A_2, %mul3A_256 : i32
      %dma_start3A_258 = arith.constant 2 : i32
      %dma_start3A_259 = arith.constant 0 : i32
      %dma_start3A_260 = arith.constant 0 : i32
      %dma_start3A_261 = tpu.memref_slice %arg8[%dma_start3A_258, %dma_start3A_259, %dma_start3A_260] : memref<4x200x64xf32, #tpu.memory_space<vmem>> -> memref<1x200x64xf32, #tpu.memory_space<vmem>>
      %dma_start3A_262 = tpu.memref_squeeze %dma_start3A_261 : memref<1x200x64xf32, #tpu.memory_space<vmem>> -> memref<200x64xf32, #tpu.memory_space<vmem>>
      %dma_start3A_263 = arith.constant 0 : i32
      %dma_start3A_264 = tpu.memref_slice %arg5[%add3A_257, %dma_start3A_263] : memref<409600x64xf32, #tpu.memory_space<hbm>> -> memref<200x64xf32, #tpu.memory_space<hbm>>
      %dma_start3A_265 = arith.constant 0 : i32
      %dma_start3A_266 = tpu.memref_slice %arg5[%add3A_257, %dma_start3A_265] : memref<409600x64xf32, #tpu.memory_space<hbm>> -> memref<200x64xf32, #tpu.memory_space<hbm>>
      %dma_start3A_267 = arith.constant 0 : i32
      %dma_start3A_268 = arith.constant 0 : i32
      %dma_start3A_269 = tpu.memref_slice %arg8[%dma_start3A_258, %dma_start3A_267, %dma_start3A_268] : memref<4x200x64xf32, #tpu.memory_space<vmem>> -> memref<1x200x64xf32, #tpu.memory_space<vmem>>
      %dma_start3A_270 = tpu.memref_squeeze %dma_start3A_269 : memref<1x200x64xf32, #tpu.memory_space<vmem>> -> memref<200x64xf32, #tpu.memory_space<vmem>>
      tpu.enqueue_dma source(%dma_start3A_270 : memref<200x64xf32, #tpu.memory_space<vmem>>) target(%dma_start3A_266 : memref<200x64xf32, #tpu.memory_space<hbm>>) target_semaphore(%arg10 : memref<!tpu.dma_semaphore, #tpu.memory_space<semaphore_mem>>)
      %add3A_271 = arith.constant 4 : i32
      %add3A_272 = arith.addi %add3A_228, %add3A_271 : i32
      %sub3A_273 = arith.constant 1 : i32
      %sub3A_274 = arith.subi %add3A_272, %sub3A_273 : i32
      %lt3A_275 = arith.constant 64 : i32
      %lt3A_276 = arith.cmpi slt, %sub3A_274, %lt3A_275 : i32
      %convert_element_type3A_277 = arith.extui %lt3A_276 : i1 to i32
      %cond3A_278 = arith.constant 0 : i32
      %cond3A_279 = arith.cmpi ne, %convert_element_type3A_277, %cond3A_278 : i32
      scf.if %cond3A_279 {
        %ge3A = arith.constant 1 : i32
        %ge3A_335 = arith.cmpi sge, %add3A_228, %ge3A : i32
        %convert_element_type3A_336 = arith.extui %ge3A_335 : i1 to i32
        %cond3A_337 = arith.constant 0 : i32
        %cond3A_338 = arith.cmpi ne, %convert_element_type3A_336, %cond3A_337 : i32
        scf.if %cond3A_338 {
          %dma_wait3A_367 = arith.constant 1 : i32
          %dma_wait3A_368 = arith.constant 0 : i32
          %dma_wait3A_369 = arith.constant 0 : i32
          %dma_wait3A_370 = tpu.memref_slice %arg8[%dma_wait3A_367, %dma_wait3A_368, %dma_wait3A_369] : memref<4x200x64xf32, #tpu.memory_space<vmem>> -> memref<1x200x64xf32, #tpu.memory_space<vmem>>
          %dma_wait3A_371 = tpu.memref_squeeze %dma_wait3A_370 : memref<1x200x64xf32, #tpu.memory_space<vmem>> -> memref<200x64xf32, #tpu.memory_space<vmem>>
          %dma_wait3A_372 = arith.constant 0 : i32
          %dma_wait3A_373 = tpu.memref_slice %arg5[%mul3A_2, %dma_wait3A_372] : memref<409600x64xf32, #tpu.memory_space<hbm>> -> memref<200x64xf32, #tpu.memory_space<hbm>>
          %dma_wait3A_374 = arith.constant 0 : i32
          %dma_wait3A_375 = tpu.memref_slice %arg5[%mul3A_2, %dma_wait3A_374] : memref<409600x64xf32, #tpu.memory_space<hbm>> -> memref<200x64xf32, #tpu.memory_space<hbm>>
          %dma_wait3A_376 = arith.constant 0 : i32
          %dma_wait3A_377 = arith.constant 0 : i32
          %dma_wait3A_378 = tpu.memref_slice %arg8[%dma_wait3A_367, %dma_wait3A_376, %dma_wait3A_377] : memref<4x200x64xf32, #tpu.memory_space<vmem>> -> memref<1x200x64xf32, #tpu.memory_space<vmem>>
          %dma_wait3A_379 = tpu.memref_squeeze %dma_wait3A_378 : memref<1x200x64xf32, #tpu.memory_space<vmem>> -> memref<200x64xf32, #tpu.memory_space<vmem>>
          tpu.wait_dma2 semaphore(%arg10 : memref<!tpu.dma_semaphore, #tpu.memory_space<semaphore_mem>>) src(%dma_wait3A_379 : memref<200x64xf32, #tpu.memory_space<vmem>>) dst(%dma_wait3A_375 : memref<200x64xf32, #tpu.memory_space<hbm>>)
        } else {
        }
        %add3A_339 = arith.constant 4 : i32
        %add3A_340 = arith.addi %add3A_228, %add3A_339 : i32
        %sub3A_341 = arith.constant 1 : i32
        %sub3A_342 = arith.subi %add3A_340, %sub3A_341 : i32
        %mul3A_343 = arith.constant 200 : i32
        %mul3A_344 = arith.muli %sub3A_342, %mul3A_343 : i32
        %add3A_345 = arith.constant 0 : i32
        %add3A_346 = arith.addi %mul3A_344, %add3A_345 : i32
        %dma_start3A_347 = arith.constant 1 : i32
        %dma_start3A_348 = arith.constant 0 : i32
        %dma_start3A_349 = arith.constant 0 : i32
        %dma_start3A_350 = tpu.memref_slice %arg8[%dma_start3A_347, %dma_start3A_348, %dma_start3A_349] : memref<4x200x64xf32, #tpu.memory_space<vmem>> -> memref<1x128x64xf32, #tpu.memory_space<vmem>>
        %dma_start3A_351 = tpu.memref_squeeze %dma_start3A_350 : memref<1x128x64xf32, #tpu.memory_space<vmem>> -> memref<128x64xf32, #tpu.memory_space<vmem>>
        %dma_start3A_352 = tpu.memref_slice %arg6[%add3A_346] : memref<12800xi32, #tpu.memory_space<vmem>> -> memref<128xi32, #tpu.memory_space<vmem>>
        %dma_start3A_353 = arith.constant 0 : i32
        %dma_start3A_354 = arith.constant 0 : i32
        %dma_start3A_355 = tpu.memref_slice %arg3[%dma_start3A_353, %dma_start3A_354] : memref<1000000x64xf32, #tpu.memory_space<hbm>> -> memref<1000000x64xf32, #tpu.memory_space<hbm>>
        tpu.enqueue_indirect_dma source(%dma_start3A_355 : memref<1000000x64xf32, #tpu.memory_space<hbm>>) target(%dma_start3A_351 : memref<128x64xf32, #tpu.memory_space<vmem>>) offsets(%dma_start3A_352 : memref<128xi32, #tpu.memory_space<vmem>>) semaphore(%arg9 : memref<!tpu.dma_semaphore, #tpu.memory_space<semaphore_mem>>)
        %add3A_356 = arith.constant 128 : i32
        %add3A_357 = arith.addi %mul3A_344, %add3A_356 : i32
        %dma_start3A_358 = arith.constant 1 : i32
        %dma_start3A_359 = arith.constant 128 : i32
        %dma_start3A_360 = arith.constant 0 : i32
        %dma_start3A_361 = tpu.memref_slice %arg8[%dma_start3A_358, %dma_start3A_359, %dma_start3A_360] : memref<4x200x64xf32, #tpu.memory_space<vmem>> -> memref<1x72x64xf32, #tpu.memory_space<vmem>>
        %dma_start3A_362 = tpu.memref_squeeze %dma_start3A_361 : memref<1x72x64xf32, #tpu.memory_space<vmem>> -> memref<72x64xf32, #tpu.memory_space<vmem>>
        %dma_start3A_363 = tpu.memref_slice %arg6[%add3A_357] : memref<12800xi32, #tpu.memory_space<vmem>> -> memref<72xi32, #tpu.memory_space<vmem>>
        %dma_start3A_364 = arith.constant 0 : i32
        %dma_start3A_365 = arith.constant 0 : i32
        %dma_start3A_366 = tpu.memref_slice %arg3[%dma_start3A_364, %dma_start3A_365] : memref<1000000x64xf32, #tpu.memory_space<hbm>> -> memref<1000000x64xf32, #tpu.memory_space<hbm>>
        tpu.enqueue_indirect_dma source(%dma_start3A_366 : memref<1000000x64xf32, #tpu.memory_space<hbm>>) target(%dma_start3A_362 : memref<72x64xf32, #tpu.memory_space<vmem>>) offsets(%dma_start3A_363 : memref<72xi32, #tpu.memory_space<vmem>>) semaphore(%arg9 : memref<!tpu.dma_semaphore, #tpu.memory_space<semaphore_mem>>)
      } else {
      }
      %mul3A_280 = arith.constant 4 : i32
      %mul3A_281 = arith.muli %mul3A_280, %scan3A_118 : i32
      %add3A_282 = arith.constant 3 : i32
      %add3A_283 = arith.addi %mul3A_281, %add3A_282 : i32
      %dma_wait3A_284 = arith.constant 3 : i32
      %dma_wait3A_285 = arith.constant 0 : i32
      %dma_wait3A_286 = arith.constant 0 : i32
      %dma_wait3A_287 = tpu.memref_slice %arg8[%dma_wait3A_284, %dma_wait3A_285, %dma_wait3A_286] : memref<4x200x64xf32, #tpu.memory_space<vmem>> -> memref<1x128x64xf32, #tpu.memory_space<vmem>>
      %dma_wait3A_288 = tpu.memref_squeeze %dma_wait3A_287 : memref<1x128x64xf32, #tpu.memory_space<vmem>> -> memref<128x64xf32, #tpu.memory_space<vmem>>
      %dma_wait3A_289 = arith.constant 0 : i32
      %dma_wait3A_290 = tpu.memref_slice %arg6[%dma_wait3A_289] : memref<12800xi32, #tpu.memory_space<vmem>> -> memref<128xi32, #tpu.memory_space<vmem>>
      %dma_wait3A_291 = arith.constant 0 : i32
      %dma_wait3A_292 = arith.constant 0 : i32
      %dma_wait3A_293 = tpu.memref_slice %arg3[%dma_wait3A_291, %dma_wait3A_292] : memref<1000000x64xf32, #tpu.memory_space<hbm>> -> memref<1000000x64xf32, #tpu.memory_space<hbm>>
      tpu.wait_indirect_dma semaphore(%arg9 : memref<!tpu.dma_semaphore, #tpu.memory_space<semaphore_mem>>) src(%dma_wait3A_293 : memref<1000000x64xf32, #tpu.memory_space<hbm>>) dst(%dma_wait3A_288 : memref<128x64xf32, #tpu.memory_space<vmem>>)
      %dma_wait3A_294 = arith.constant 3 : i32
      %dma_wait3A_295 = arith.constant 128 : i32
      %dma_wait3A_296 = arith.constant 0 : i32
      %dma_wait3A_297 = tpu.memref_slice %arg8[%dma_wait3A_294, %dma_wait3A_295, %dma_wait3A_296] : memref<4x200x64xf32, #tpu.memory_space<vmem>> -> memref<1x72x64xf32, #tpu.memory_space<vmem>>
      %dma_wait3A_298 = tpu.memref_squeeze %dma_wait3A_297 : memref<1x72x64xf32, #tpu.memory_space<vmem>> -> memref<72x64xf32, #tpu.memory_space<vmem>>
      %dma_wait3A_299 = arith.constant 128 : i32
      %dma_wait3A_300 = tpu.memref_slice %arg6[%dma_wait3A_299] : memref<12800xi32, #tpu.memory_space<vmem>> -> memref<72xi32, #tpu.memory_space<vmem>>
      %dma_wait3A_301 = arith.constant 0 : i32
      %dma_wait3A_302 = arith.constant 0 : i32
      %dma_wait3A_303 = tpu.memref_slice %arg3[%dma_wait3A_301, %dma_wait3A_302] : memref<1000000x64xf32, #tpu.memory_space<hbm>> -> memref<1000000x64xf32, #tpu.memory_space<hbm>>
      tpu.wait_indirect_dma semaphore(%arg9 : memref<!tpu.dma_semaphore, #tpu.memory_space<semaphore_mem>>) src(%dma_wait3A_303 : memref<1000000x64xf32, #tpu.memory_space<hbm>>) dst(%dma_wait3A_298 : memref<72x64xf32, #tpu.memory_space<vmem>>)
      %scan3A_304 = arith.constant 0 : i32
      %scan3A_305 = arith.constant 0 : i32
      %scan3A_306 = arith.constant 200 : i32
      %scan3A_307 = arith.addi %scan3A_305, %scan3A_306 : i32
      %scan3A_308 = arith.constant 2 : i32
      scf.for %scan3A_335 = %scan3A_305 to %scan3A_307 step %scan3A_308  : i32 {
        %get3A = arith.constant 3 : i32
        %get3A_336 = arith.index_cast %get3A : i32 to index
        %get3A_337 = arith.index_cast %scan3A_335 : i32 to index
        %get3A_338 = arith.constant 0 : index
        %get3A_339 = tpu.vector_load %arg8[%get3A_336, %get3A_337, %get3A_338] {strides = array<i32>} : memref<4x200x64xf32, #tpu.memory_space<vmem>>, vector<1x1x16xf32>,
        %get3A_340 = vector.shape_cast %get3A_339 : vector<1x1x16xf32> to vector<16xf32>
        %get3A_341 = arith.index_cast %scan3A_335 : i32 to index
        %get3A_342 = arith.constant 0 : index
        %get3A_343 = tpu.vector_load %arg7[%get3A_341, %get3A_342] {strides = array<i32>} : memref<200x64xf32, #tpu.memory_space<vmem>>, vector<1x16xf32>,
        %get3A_344 = vector.shape_cast %get3A_343 : vector<1x16xf32> to vector<16xf32>
        %add3A_345 = arith.addf %get3A_340, %get3A_344 : vector<16xf32>
        %swap3A = arith.constant 3 : i32
        %swap3A_346 = arith.index_cast %swap3A : i32 to index
        %swap3A_347 = arith.index_cast %scan3A_335 : i32 to index
        %swap3A_348 = arith.constant 0 : index
        %swap3A_349 = tpu.vector_load %arg8[%swap3A_346, %swap3A_347, %swap3A_348] {strides = array<i32>} : memref<4x200x64xf32, #tpu.memory_space<vmem>>, vector<1x1x16xf32>,
        %swap3A_350 = vector.shape_cast %swap3A_349 : vector<1x1x16xf32> to vector<16xf32>
        %swap3A_351 = vector.shape_cast %add3A_345 : vector<16xf32> to vector<1x1x16xf32>
        tpu.vector_store %arg8[%swap3A_346, %swap3A_347, %swap3A_348], %swap3A_351 {strides = array<i32>} : memref<4x200x64xf32, #tpu.memory_space<vmem>>, vector<1x1x16xf32>,
        %get3A_352 = arith.constant 3 : i32
        %get3A_353 = arith.index_cast %get3A_352 : i32 to index
        %get3A_354 = arith.index_cast %scan3A_335 : i32 to index
        %get3A_355 = arith.constant 16 : index
        %get3A_356 = tpu.vector_load %arg8[%get3A_353, %get3A_354, %get3A_355] {strides = array<i32>} : memref<4x200x64xf32, #tpu.memory_space<vmem>>, vector<1x1x16xf32>,
        %get3A_357 = vector.shape_cast %get3A_356 : vector<1x1x16xf32> to vector<16xf32>
        %get3A_358 = arith.index_cast %scan3A_335 : i32 to index
        %get3A_359 = arith.constant 16 : index
        %get3A_360 = tpu.vector_load %arg7[%get3A_358, %get3A_359] {strides = array<i32>} : memref<200x64xf32, #tpu.memory_space<vmem>>, vector<1x16xf32>,
        %get3A_361 = vector.shape_cast %get3A_360 : vector<1x16xf32> to vector<16xf32>
        %add3A_362 = arith.addf %get3A_357, %get3A_361 : vector<16xf32>
        %swap3A_363 = arith.constant 3 : i32
        %swap3A_364 = arith.index_cast %swap3A_363 : i32 to index
        %swap3A_365 = arith.index_cast %scan3A_335 : i32 to index
        %swap3A_366 = arith.constant 16 : index
        %swap3A_367 = tpu.vector_load %arg8[%swap3A_364, %swap3A_365, %swap3A_366] {strides = array<i32>} : memref<4x200x64xf32, #tpu.memory_space<vmem>>, vector<1x1x16xf32>,
        %swap3A_368 = vector.shape_cast %swap3A_367 : vector<1x1x16xf32> to vector<16xf32>
        %swap3A_369 = vector.shape_cast %add3A_362 : vector<16xf32> to vector<1x1x16xf32>
        tpu.vector_store %arg8[%swap3A_364, %swap3A_365, %swap3A_366], %swap3A_369 {strides = array<i32>} : memref<4x200x64xf32, #tpu.memory_space<vmem>>, vector<1x1x16xf32>,
        %get3A_370 = arith.constant 3 : i32
        %get3A_371 = arith.index_cast %get3A_370 : i32 to index
        %get3A_372 = arith.index_cast %scan3A_335 : i32 to index
        %get3A_373 = arith.constant 32 : index
        %get3A_374 = tpu.vector_load %arg8[%get3A_371, %get3A_372, %get3A_373] {strides = array<i32>} : memref<4x200x64xf32, #tpu.memory_space<vmem>>, vector<1x1x16xf32>,
        %get3A_375 = vector.shape_cast %get3A_374 : vector<1x1x16xf32> to vector<16xf32>
        %get3A_376 = arith.index_cast %scan3A_335 : i32 to index
        %get3A_377 = arith.constant 32 : index
        %get3A_378 = tpu.vector_load %arg7[%get3A_376, %get3A_377] {strides = array<i32>} : memref<200x64xf32, #tpu.memory_space<vmem>>, vector<1x16xf32>,
        %get3A_379 = vector.shape_cast %get3A_378 : vector<1x16xf32> to vector<16xf32>
        %add3A_380 = arith.addf %get3A_375, %get3A_379 : vector<16xf32>
        %swap3A_381 = arith.constant 3 : i32
        %swap3A_382 = arith.index_cast %swap3A_381 : i32 to index
        %swap3A_383 = arith.index_cast %scan3A_335 : i32 to index
        %swap3A_384 = arith.constant 32 : index
        %swap3A_385 = tpu.vector_load %arg8[%swap3A_382, %swap3A_383, %swap3A_384] {strides = array<i32>} : memref<4x200x64xf32, #tpu.memory_space<vmem>>, vector<1x1x16xf32>,
        %swap3A_386 = vector.shape_cast %swap3A_385 : vector<1x1x16xf32> to vector<16xf32>
        %swap3A_387 = vector.shape_cast %add3A_380 : vector<16xf32> to vector<1x1x16xf32>
        tpu.vector_store %arg8[%swap3A_382, %swap3A_383, %swap3A_384], %swap3A_387 {strides = array<i32>} : memref<4x200x64xf32, #tpu.memory_space<vmem>>, vector<1x1x16xf32>,
        %get3A_388 = arith.constant 3 : i32
        %get3A_389 = arith.index_cast %get3A_388 : i32 to index
        %get3A_390 = arith.index_cast %scan3A_335 : i32 to index
        %get3A_391 = arith.constant 48 : index
        %get3A_392 = tpu.vector_load %arg8[%get3A_389, %get3A_390, %get3A_391] {strides = array<i32>} : memref<4x200x64xf32, #tpu.memory_space<vmem>>, vector<1x1x16xf32>,
        %get3A_393 = vector.shape_cast %get3A_392 : vector<1x1x16xf32> to vector<16xf32>
        %get3A_394 = arith.index_cast %scan3A_335 : i32 to index
        %get3A_395 = arith.constant 48 : index
        %get3A_396 = tpu.vector_load %arg7[%get3A_394, %get3A_395] {strides = array<i32>} : memref<200x64xf32, #tpu.memory_space<vmem>>, vector<1x16xf32>,
        %get3A_397 = vector.shape_cast %get3A_396 : vector<1x16xf32> to vector<16xf32>
        %add3A_398 = arith.addf %get3A_393, %get3A_397 : vector<16xf32>
        %swap3A_399 = arith.constant 3 : i32
        %swap3A_400 = arith.index_cast %swap3A_399 : i32 to index
        %swap3A_401 = arith.index_cast %scan3A_335 : i32 to index
        %swap3A_402 = arith.constant 48 : index
        %swap3A_403 = tpu.vector_load %arg8[%swap3A_400, %swap3A_401, %swap3A_402] {strides = array<i32>} : memref<4x200x64xf32, #tpu.memory_space<vmem>>, vector<1x1x16xf32>,
        %swap3A_404 = vector.shape_cast %swap3A_403 : vector<1x1x16xf32> to vector<16xf32>
        %swap3A_405 = vector.shape_cast %add3A_398 : vector<16xf32> to vector<1x1x16xf32>
        tpu.vector_store %arg8[%swap3A_400, %swap3A_401, %swap3A_402], %swap3A_405 {strides = array<i32>} : memref<4x200x64xf32, #tpu.memory_space<vmem>>, vector<1x1x16xf32>,
        %scan3A_406 = arith.constant 1 : i32
        %scan3A_407 = arith.addi %scan3A_335, %scan3A_406 : i32
        %get3A_408 = arith.constant 3 : i32
        %get3A_409 = arith.index_cast %get3A_408 : i32 to index
        %get3A_410 = arith.index_cast %scan3A_407 : i32 to index
        %get3A_411 = arith.constant 0 : index
        %get3A_412 = tpu.vector_load %arg8[%get3A_409, %get3A_410, %get3A_411] {strides = array<i32>} : memref<4x200x64xf32, #tpu.memory_space<vmem>>, vector<1x1x16xf32>,
        %get3A_413 = vector.shape_cast %get3A_412 : vector<1x1x16xf32> to vector<16xf32>
        %get3A_414 = arith.index_cast %scan3A_407 : i32 to index
        %get3A_415 = arith.constant 0 : index
        %get3A_416 = tpu.vector_load %arg7[%get3A_414, %get3A_415] {strides = array<i32>} : memref<200x64xf32, #tpu.memory_space<vmem>>, vector<1x16xf32>,
        %get3A_417 = vector.shape_cast %get3A_416 : vector<1x16xf32> to vector<16xf32>
        %add3A_418 = arith.addf %get3A_413, %get3A_417 : vector<16xf32>
        %swap3A_419 = arith.constant 3 : i32
        %swap3A_420 = arith.index_cast %swap3A_419 : i32 to index
        %swap3A_421 = arith.index_cast %scan3A_407 : i32 to index
        %swap3A_422 = arith.constant 0 : index
        %swap3A_423 = tpu.vector_load %arg8[%swap3A_420, %swap3A_421, %swap3A_422] {strides = array<i32>} : memref<4x200x64xf32, #tpu.memory_space<vmem>>, vector<1x1x16xf32>,
        %swap3A_424 = vector.shape_cast %swap3A_423 : vector<1x1x16xf32> to vector<16xf32>
        %swap3A_425 = vector.shape_cast %add3A_418 : vector<16xf32> to vector<1x1x16xf32>
        tpu.vector_store %arg8[%swap3A_420, %swap3A_421, %swap3A_422], %swap3A_425 {strides = array<i32>} : memref<4x200x64xf32, #tpu.memory_space<vmem>>, vector<1x1x16xf32>,
        %get3A_426 = arith.constant 3 : i32
        %get3A_427 = arith.index_cast %get3A_426 : i32 to index
        %get3A_428 = arith.index_cast %scan3A_407 : i32 to index
        %get3A_429 = arith.constant 16 : index
        %get3A_430 = tpu.vector_load %arg8[%get3A_427, %get3A_428, %get3A_429] {strides = array<i32>} : memref<4x200x64xf32, #tpu.memory_space<vmem>>, vector<1x1x16xf32>,
        %get3A_431 = vector.shape_cast %get3A_430 : vector<1x1x16xf32> to vector<16xf32>
        %get3A_432 = arith.index_cast %scan3A_407 : i32 to index
        %get3A_433 = arith.constant 16 : index
        %get3A_434 = tpu.vector_load %arg7[%get3A_432, %get3A_433] {strides = array<i32>} : memref<200x64xf32, #tpu.memory_space<vmem>>, vector<1x16xf32>,
        %get3A_435 = vector.shape_cast %get3A_434 : vector<1x16xf32> to vector<16xf32>
        %add3A_436 = arith.addf %get3A_431, %get3A_435 : vector<16xf32>
        %swap3A_437 = arith.constant 3 : i32
        %swap3A_438 = arith.index_cast %swap3A_437 : i32 to index
        %swap3A_439 = arith.index_cast %scan3A_407 : i32 to index
        %swap3A_440 = arith.constant 16 : index
        %swap3A_441 = tpu.vector_load %arg8[%swap3A_438, %swap3A_439, %swap3A_440] {strides = array<i32>} : memref<4x200x64xf32, #tpu.memory_space<vmem>>, vector<1x1x16xf32>,
        %swap3A_442 = vector.shape_cast %swap3A_441 : vector<1x1x16xf32> to vector<16xf32>
        %swap3A_443 = vector.shape_cast %add3A_436 : vector<16xf32> to vector<1x1x16xf32>
        tpu.vector_store %arg8[%swap3A_438, %swap3A_439, %swap3A_440], %swap3A_443 {strides = array<i32>} : memref<4x200x64xf32, #tpu.memory_space<vmem>>, vector<1x1x16xf32>,
        %get3A_444 = arith.constant 3 : i32
        %get3A_445 = arith.index_cast %get3A_444 : i32 to index
        %get3A_446 = arith.index_cast %scan3A_407 : i32 to index
        %get3A_447 = arith.constant 32 : index
        %get3A_448 = tpu.vector_load %arg8[%get3A_445, %get3A_446, %get3A_447] {strides = array<i32>} : memref<4x200x64xf32, #tpu.memory_space<vmem>>, vector<1x1x16xf32>,
        %get3A_449 = vector.shape_cast %get3A_448 : vector<1x1x16xf32> to vector<16xf32>
        %get3A_450 = arith.index_cast %scan3A_407 : i32 to index
        %get3A_451 = arith.constant 32 : index
        %get3A_452 = tpu.vector_load %arg7[%get3A_450, %get3A_451] {strides = array<i32>} : memref<200x64xf32, #tpu.memory_space<vmem>>, vector<1x16xf32>,
        %get3A_453 = vector.shape_cast %get3A_452 : vector<1x16xf32> to vector<16xf32>
        %add3A_454 = arith.addf %get3A_449, %get3A_453 : vector<16xf32>
        %swap3A_455 = arith.constant 3 : i32
        %swap3A_456 = arith.index_cast %swap3A_455 : i32 to index
        %swap3A_457 = arith.index_cast %scan3A_407 : i32 to index
        %swap3A_458 = arith.constant 32 : index
        %swap3A_459 = tpu.vector_load %arg8[%swap3A_456, %swap3A_457, %swap3A_458] {strides = array<i32>} : memref<4x200x64xf32, #tpu.memory_space<vmem>>, vector<1x1x16xf32>,
        %swap3A_460 = vector.shape_cast %swap3A_459 : vector<1x1x16xf32> to vector<16xf32>
        %swap3A_461 = vector.shape_cast %add3A_454 : vector<16xf32> to vector<1x1x16xf32>
        tpu.vector_store %arg8[%swap3A_456, %swap3A_457, %swap3A_458], %swap3A_461 {strides = array<i32>} : memref<4x200x64xf32, #tpu.memory_space<vmem>>, vector<1x1x16xf32>,
        %get3A_462 = arith.constant 3 : i32
        %get3A_463 = arith.index_cast %get3A_462 : i32 to index
        %get3A_464 = arith.index_cast %scan3A_407 : i32 to index
        %get3A_465 = arith.constant 48 : index
        %get3A_466 = tpu.vector_load %arg8[%get3A_463, %get3A_464, %get3A_465] {strides = array<i32>} : memref<4x200x64xf32, #tpu.memory_space<vmem>>, vector<1x1x16xf32>,
        %get3A_467 = vector.shape_cast %get3A_466 : vector<1x1x16xf32> to vector<16xf32>
        %get3A_468 = arith.index_cast %scan3A_407 : i32 to index
        %get3A_469 = arith.constant 48 : index
        %get3A_470 = tpu.vector_load %arg7[%get3A_468, %get3A_469] {strides = array<i32>} : memref<200x64xf32, #tpu.memory_space<vmem>>, vector<1x16xf32>,
        %get3A_471 = vector.shape_cast %get3A_470 : vector<1x16xf32> to vector<16xf32>
        %add3A_472 = arith.addf %get3A_467, %get3A_471 : vector<16xf32>
        %swap3A_473 = arith.constant 3 : i32
        %swap3A_474 = arith.index_cast %swap3A_473 : i32 to index
        %swap3A_475 = arith.index_cast %scan3A_407 : i32 to index
        %swap3A_476 = arith.constant 48 : index
        %swap3A_477 = tpu.vector_load %arg8[%swap3A_474, %swap3A_475, %swap3A_476] {strides = array<i32>} : memref<4x200x64xf32, #tpu.memory_space<vmem>>, vector<1x1x16xf32>,
        %swap3A_478 = vector.shape_cast %swap3A_477 : vector<1x1x16xf32> to vector<16xf32>
        %swap3A_479 = vector.shape_cast %add3A_472 : vector<16xf32> to vector<1x1x16xf32>
        tpu.vector_store %arg8[%swap3A_474, %swap3A_475, %swap3A_476], %swap3A_479 {strides = array<i32>} : memref<4x200x64xf32, #tpu.memory_space<vmem>>, vector<1x1x16xf32>,
      }
      %scan3A_309 = arith.constant 200 : i32
      %mul3A_310 = arith.constant 200 : i32
      %mul3A_311 = arith.muli %add3A_283, %mul3A_310 : i32
      %add3A_312 = arith.addi %mul3A_2, %mul3A_311 : i32
      %dma_start3A_313 = arith.constant 3 : i32
      %dma_start3A_314 = arith.constant 0 : i32
      %dma_start3A_315 = arith.constant 0 : i32
      %dma_start3A_316 = tpu.memref_slice %arg8[%dma_start3A_313, %dma_start3A_314, %dma_start3A_315] : memref<4x200x64xf32, #tpu.memory_space<vmem>> -> memref<1x200x64xf32, #tpu.memory_space<vmem>>
      %dma_start3A_317 = tpu.memref_squeeze %dma_start3A_316 : memref<1x200x64xf32, #tpu.memory_space<vmem>> -> memref<200x64xf32, #tpu.memory_space<vmem>>
      %dma_start3A_318 = arith.constant 0 : i32
      %dma_start3A_319 = tpu.memref_slice %arg5[%add3A_312, %dma_start3A_318] : memref<409600x64xf32, #tpu.memory_space<hbm>> -> memref<200x64xf32, #tpu.memory_space<hbm>>
      %dma_start3A_320 = arith.constant 0 : i32
      %dma_start3A_321 = tpu.memref_slice %arg5[%add3A_312, %dma_start3A_320] : memref<409600x64xf32, #tpu.memory_space<hbm>> -> memref<200x64xf32, #tpu.memory_space<hbm>>
      %dma_start3A_322 = arith.constant 0 : i32
      %dma_start3A_323 = arith.constant 0 : i32
      %dma_start3A_324 = tpu.memref_slice %arg8[%dma_start3A_313, %dma_start3A_322, %dma_start3A_323] : memref<4x200x64xf32, #tpu.memory_space<vmem>> -> memref<1x200x64xf32, #tpu.memory_space<vmem>>
      %dma_start3A_325 = tpu.memref_squeeze %dma_start3A_324 : memref<1x200x64xf32, #tpu.memory_space<vmem>> -> memref<200x64xf32, #tpu.memory_space<vmem>>
      tpu.enqueue_dma source(%dma_start3A_325 : memref<200x64xf32, #tpu.memory_space<vmem>>) target(%dma_start3A_321 : memref<200x64xf32, #tpu.memory_space<hbm>>) target_semaphore(%arg10 : memref<!tpu.dma_semaphore, #tpu.memory_space<semaphore_mem>>)
      %add3A_326 = arith.constant 4 : i32
      %add3A_327 = arith.addi %add3A_283, %add3A_326 : i32
      %sub3A_328 = arith.constant 1 : i32
      %sub3A_329 = arith.subi %add3A_327, %sub3A_328 : i32
      %lt3A_330 = arith.constant 64 : i32
      %lt3A_331 = arith.cmpi slt, %sub3A_329, %lt3A_330 : i32
      %convert_element_type3A_332 = arith.extui %lt3A_331 : i1 to i32
      %cond3A_333 = arith.constant 0 : i32
      %cond3A_334 = arith.cmpi ne, %convert_element_type3A_332, %cond3A_333 : i32
      scf.if %cond3A_334 {
        %ge3A = arith.constant 1 : i32
        %ge3A_335 = arith.cmpi sge, %add3A_283, %ge3A : i32
        %convert_element_type3A_336 = arith.extui %ge3A_335 : i1 to i32
        %cond3A_337 = arith.constant 0 : i32
        %cond3A_338 = arith.cmpi ne, %convert_element_type3A_336, %cond3A_337 : i32
        scf.if %cond3A_338 {
          %dma_wait3A_367 = arith.constant 2 : i32
          %dma_wait3A_368 = arith.constant 0 : i32
          %dma_wait3A_369 = arith.constant 0 : i32
          %dma_wait3A_370 = tpu.memref_slice %arg8[%dma_wait3A_367, %dma_wait3A_368, %dma_wait3A_369] : memref<4x200x64xf32, #tpu.memory_space<vmem>> -> memref<1x200x64xf32, #tpu.memory_space<vmem>>
          %dma_wait3A_371 = tpu.memref_squeeze %dma_wait3A_370 : memref<1x200x64xf32, #tpu.memory_space<vmem>> -> memref<200x64xf32, #tpu.memory_space<vmem>>
          %dma_wait3A_372 = arith.constant 0 : i32
          %dma_wait3A_373 = tpu.memref_slice %arg5[%mul3A_2, %dma_wait3A_372] : memref<409600x64xf32, #tpu.memory_space<hbm>> -> memref<200x64xf32, #tpu.memory_space<hbm>>
          %dma_wait3A_374 = arith.constant 0 : i32
          %dma_wait3A_375 = tpu.memref_slice %arg5[%mul3A_2, %dma_wait3A_374] : memref<409600x64xf32, #tpu.memory_space<hbm>> -> memref<200x64xf32, #tpu.memory_space<hbm>>
          %dma_wait3A_376 = arith.constant 0 : i32
          %dma_wait3A_377 = arith.constant 0 : i32
          %dma_wait3A_378 = tpu.memref_slice %arg8[%dma_wait3A_367, %dma_wait3A_376, %dma_wait3A_377] : memref<4x200x64xf32, #tpu.memory_space<vmem>> -> memref<1x200x64xf32, #tpu.memory_space<vmem>>
          %dma_wait3A_379 = tpu.memref_squeeze %dma_wait3A_378 : memref<1x200x64xf32, #tpu.memory_space<vmem>> -> memref<200x64xf32, #tpu.memory_space<vmem>>
          tpu.wait_dma2 semaphore(%arg10 : memref<!tpu.dma_semaphore, #tpu.memory_space<semaphore_mem>>) src(%dma_wait3A_379 : memref<200x64xf32, #tpu.memory_space<vmem>>) dst(%dma_wait3A_375 : memref<200x64xf32, #tpu.memory_space<hbm>>)
        } else {
        }
        %add3A_339 = arith.constant 4 : i32
        %add3A_340 = arith.addi %add3A_283, %add3A_339 : i32
        %sub3A_341 = arith.constant 1 : i32
        %sub3A_342 = arith.subi %add3A_340, %sub3A_341 : i32
        %mul3A_343 = arith.constant 200 : i32
        %mul3A_344 = arith.muli %sub3A_342, %mul3A_343 : i32
        %add3A_345 = arith.constant 0 : i32
        %add3A_346 = arith.addi %mul3A_344, %add3A_345 : i32
        %dma_start3A_347 = arith.constant 2 : i32
        %dma_start3A_348 = arith.constant 0 : i32
        %dma_start3A_349 = arith.constant 0 : i32
        %dma_start3A_350 = tpu.memref_slice %arg8[%dma_start3A_347, %dma_start3A_348, %dma_start3A_349] : memref<4x200x64xf32, #tpu.memory_space<vmem>> -> memref<1x128x64xf32, #tpu.memory_space<vmem>>
        %dma_start3A_351 = tpu.memref_squeeze %dma_start3A_350 : memref<1x128x64xf32, #tpu.memory_space<vmem>> -> memref<128x64xf32, #tpu.memory_space<vmem>>
        %dma_start3A_352 = tpu.memref_slice %arg6[%add3A_346] : memref<12800xi32, #tpu.memory_space<vmem>> -> memref<128xi32, #tpu.memory_space<vmem>>
        %dma_start3A_353 = arith.constant 0 : i32
        %dma_start3A_354 = arith.constant 0 : i32
        %dma_start3A_355 = tpu.memref_slice %arg3[%dma_start3A_353, %dma_start3A_354] : memref<1000000x64xf32, #tpu.memory_space<hbm>> -> memref<1000000x64xf32, #tpu.memory_space<hbm>>
        tpu.enqueue_indirect_dma source(%dma_start3A_355 : memref<1000000x64xf32, #tpu.memory_space<hbm>>) target(%dma_start3A_351 : memref<128x64xf32, #tpu.memory_space<vmem>>) offsets(%dma_start3A_352 : memref<128xi32, #tpu.memory_space<vmem>>) semaphore(%arg9 : memref<!tpu.dma_semaphore, #tpu.memory_space<semaphore_mem>>)
        %add3A_356 = arith.constant 128 : i32
        %add3A_357 = arith.addi %mul3A_344, %add3A_356 : i32
        %dma_start3A_358 = arith.constant 2 : i32
        %dma_start3A_359 = arith.constant 128 : i32
        %dma_start3A_360 = arith.constant 0 : i32
        %dma_start3A_361 = tpu.memref_slice %arg8[%dma_start3A_358, %dma_start3A_359, %dma_start3A_360] : memref<4x200x64xf32, #tpu.memory_space<vmem>> -> memref<1x72x64xf32, #tpu.memory_space<vmem>>
        %dma_start3A_362 = tpu.memref_squeeze %dma_start3A_361 : memref<1x72x64xf32, #tpu.memory_space<vmem>> -> memref<72x64xf32, #tpu.memory_space<vmem>>
        %dma_start3A_363 = tpu.memref_slice %arg6[%add3A_357] : memref<12800xi32, #tpu.memory_space<vmem>> -> memref<72xi32, #tpu.memory_space<vmem>>
        %dma_start3A_364 = arith.constant 0 : i32
        %dma_start3A_365 = arith.constant 0 : i32
        %dma_start3A_366 = tpu.memref_slice %arg3[%dma_start3A_364, %dma_start3A_365] : memref<1000000x64xf32, #tpu.memory_space<hbm>> -> memref<1000000x64xf32, #tpu.memory_space<hbm>>
        tpu.enqueue_indirect_dma source(%dma_start3A_366 : memref<1000000x64xf32, #tpu.memory_space<hbm>>) target(%dma_start3A_362 : memref<72x64xf32, #tpu.memory_space<vmem>>) offsets(%dma_start3A_363 : memref<72xi32, #tpu.memory_space<vmem>>) semaphore(%arg9 : memref<!tpu.dma_semaphore, #tpu.memory_space<semaphore_mem>>)
      } else {
      }
    }
    %scan3A_66 = arith.constant 16 : i32
    %dma_wait3A = arith.constant 0 : i32
    %dma_wait3A_67 = arith.constant 0 : i32
    %dma_wait3A_68 = arith.constant 0 : i32
    %dma_wait3A_69 = tpu.memref_slice %arg8[%dma_wait3A, %dma_wait3A_67, %dma_wait3A_68] : memref<4x200x64xf32, #tpu.memory_space<vmem>> -> memref<1x200x64xf32, #tpu.memory_space<vmem>>
    %dma_wait3A_70 = tpu.memref_squeeze %dma_wait3A_69 : memref<1x200x64xf32, #tpu.memory_space<vmem>> -> memref<200x64xf32, #tpu.memory_space<vmem>>
    %dma_wait3A_71 = arith.constant 0 : i32
    %dma_wait3A_72 = tpu.memref_slice %arg5[%mul3A_2, %dma_wait3A_71] : memref<409600x64xf32, #tpu.memory_space<hbm>> -> memref<200x64xf32, #tpu.memory_space<hbm>>
    %dma_wait3A_73 = arith.constant 0 : i32
    %dma_wait3A_74 = tpu.memref_slice %arg5[%mul3A_2, %dma_wait3A_73] : memref<409600x64xf32, #tpu.memory_space<hbm>> -> memref<200x64xf32, #tpu.memory_space<hbm>>
    %dma_wait3A_75 = arith.constant 0 : i32
    %dma_wait3A_76 = arith.constant 0 : i32
    %dma_wait3A_77 = tpu.memref_slice %arg8[%dma_wait3A, %dma_wait3A_75, %dma_wait3A_76] : memref<4x200x64xf32, #tpu.memory_space<vmem>> -> memref<1x200x64xf32, #tpu.memory_space<vmem>>
    %dma_wait3A_78 = tpu.memref_squeeze %dma_wait3A_77 : memref<1x200x64xf32, #tpu.memory_space<vmem>> -> memref<200x64xf32, #tpu.memory_space<vmem>>
    tpu.wait_dma2 semaphore(%arg10 : memref<!tpu.dma_semaphore, #tpu.memory_space<semaphore_mem>>) src(%dma_wait3A_78 : memref<200x64xf32, #tpu.memory_space<vmem>>) dst(%dma_wait3A_74 : memref<200x64xf32, #tpu.memory_space<hbm>>)
    %dma_wait3A_79 = arith.constant 1 : i32
    %dma_wait3A_80 = arith.constant 0 : i32
    %dma_wait3A_81 = arith.constant 0 : i32
    %dma_wait3A_82 = tpu.memref_slice %arg8[%dma_wait3A_79, %dma_wait3A_80, %dma_wait3A_81] : memref<4x200x64xf32, #tpu.memory_space<vmem>> -> memref<1x200x64xf32, #tpu.memory_space<vmem>>
    %dma_wait3A_83 = tpu.memref_squeeze %dma_wait3A_82 : memref<1x200x64xf32, #tpu.memory_space<vmem>> -> memref<200x64xf32, #tpu.memory_space<vmem>>
    %dma_wait3A_84 = arith.constant 0 : i32
    %dma_wait3A_85 = tpu.memref_slice %arg5[%mul3A_2, %dma_wait3A_84] : memref<409600x64xf32, #tpu.memory_space<hbm>> -> memref<200x64xf32, #tpu.memory_space<hbm>>
    %dma_wait3A_86 = arith.constant 0 : i32
    %dma_wait3A_87 = tpu.memref_slice %arg5[%mul3A_2, %dma_wait3A_86] : memref<409600x64xf32, #tpu.memory_space<hbm>> -> memref<200x64xf32, #tpu.memory_space<hbm>>
    %dma_wait3A_88 = arith.constant 0 : i32
    %dma_wait3A_89 = arith.constant 0 : i32
    %dma_wait3A_90 = tpu.memref_slice %arg8[%dma_wait3A_79, %dma_wait3A_88, %dma_wait3A_89] : memref<4x200x64xf32, #tpu.memory_space<vmem>> -> memref<1x200x64xf32, #tpu.memory_space<vmem>>
    %dma_wait3A_91 = tpu.memref_squeeze %dma_wait3A_90 : memref<1x200x64xf32, #tpu.memory_space<vmem>> -> memref<200x64xf32, #tpu.memory_space<vmem>>
    tpu.wait_dma2 semaphore(%arg10 : memref<!tpu.dma_semaphore, #tpu.memory_space<semaphore_mem>>) src(%dma_wait3A_91 : memref<200x64xf32, #tpu.memory_space<vmem>>) dst(%dma_wait3A_87 : memref<200x64xf32, #tpu.memory_space<hbm>>)
    %dma_wait3A_92 = arith.constant 2 : i32
    %dma_wait3A_93 = arith.constant 0 : i32
    %dma_wait3A_94 = arith.constant 0 : i32
    %dma_wait3A_95 = tpu.memref_slice %arg8[%dma_wait3A_92, %dma_wait3A_93, %dma_wait3A_94] : memref<4x200x64xf32, #tpu.memory_space<vmem>> -> memref<1x200x64xf32, #tpu.memory_space<vmem>>
    %dma_wait3A_96 = tpu.memref_squeeze %dma_wait3A_95 : memref<1x200x64xf32, #tpu.memory_space<vmem>> -> memref<200x64xf32, #tpu.memory_space<vmem>>
    %dma_wait3A_97 = arith.constant 0 : i32
    %dma_wait3A_98 = tpu.memref_slice %arg5[%mul3A_2, %dma_wait3A_97] : memref<409600x64xf32, #tpu.memory_space<hbm>> -> memref<200x64xf32, #tpu.memory_space<hbm>>
    %dma_wait3A_99 = arith.constant 0 : i32
    %dma_wait3A_100 = tpu.memref_slice %arg5[%mul3A_2, %dma_wait3A_99] : memref<409600x64xf32, #tpu.memory_space<hbm>> -> memref<200x64xf32, #tpu.memory_space<hbm>>
    %dma_wait3A_101 = arith.constant 0 : i32
    %dma_wait3A_102 = arith.constant 0 : i32
    %dma_wait3A_103 = tpu.memref_slice %arg8[%dma_wait3A_92, %dma_wait3A_101, %dma_wait3A_102] : memref<4x200x64xf32, #tpu.memory_space<vmem>> -> memref<1x200x64xf32, #tpu.memory_space<vmem>>
    %dma_wait3A_104 = tpu.memref_squeeze %dma_wait3A_103 : memref<1x200x64xf32, #tpu.memory_space<vmem>> -> memref<200x64xf32, #tpu.memory_space<vmem>>
    tpu.wait_dma2 semaphore(%arg10 : memref<!tpu.dma_semaphore, #tpu.memory_space<semaphore_mem>>) src(%dma_wait3A_104 : memref<200x64xf32, #tpu.memory_space<vmem>>) dst(%dma_wait3A_100 : memref<200x64xf32, #tpu.memory_space<hbm>>)
    %dma_wait3A_105 = arith.constant 3 : i32
    %dma_wait3A_106 = arith.constant 0 : i32
    %dma_wait3A_107 = arith.constant 0 : i32
    %dma_wait3A_108 = tpu.memref_slice %arg8[%dma_wait3A_105, %dma_wait3A_106, %dma_wait3A_107] : memref<4x200x64xf32, #tpu.memory_space<vmem>> -> memref<1x200x64xf32, #tpu.memory_space<vmem>>
    %dma_wait3A_109 = tpu.memref_squeeze %dma_wait3A_108 : memref<1x200x64xf32, #tpu.memory_space<vmem>> -> memref<200x64xf32, #tpu.memory_space<vmem>>
    %dma_wait3A_110 = arith.constant 0 : i32
    %dma_wait3A_111 = tpu.memref_slice %arg5[%mul3A_2, %dma_wait3A_110] : memref<409600x64xf32, #tpu.memory_space<hbm>> -> memref<200x64xf32, #tpu.memory_space<hbm>>
    %dma_wait3A_112 = arith.constant 0 : i32
    %dma_wait3A_113 = tpu.memref_slice %arg5[%mul3A_2, %dma_wait3A_112] : memref<409600x64xf32, #tpu.memory_space<hbm>> -> memref<200x64xf32, #tpu.memory_space<hbm>>
    %dma_wait3A_114 = arith.constant 0 : i32
    %dma_wait3A_115 = arith.constant 0 : i32
    %dma_wait3A_116 = tpu.memref_slice %arg8[%dma_wait3A_105, %dma_wait3A_114, %dma_wait3A_115] : memref<4x200x64xf32, #tpu.memory_space<vmem>> -> memref<1x200x64xf32, #tpu.memory_space<vmem>>
    %dma_wait3A_117 = tpu.memref_squeeze %dma_wait3A_116 : memref<1x200x64xf32, #tpu.memory_space<vmem>> -> memref<200x64xf32, #tpu.memory_space<vmem>>
    tpu.wait_dma2 semaphore(%arg10 : memref<!tpu.dma_semaphore, #tpu.memory_space<semaphore_mem>>) src(%dma_wait3A_117 : memref<200x64xf32, #tpu.memory_space<vmem>>) dst(%dma_wait3A_113 : memref<200x64xf32, #tpu.memory_space<hbm>>)
    return
  }
}

</mosaic_0001>

<sc_bundles>
// kernel: _emb_lookup.3.cloned.1.call-start
scs
__scs_entry_jumppad:
0x0: {  	(pc) =	sbr.rel $0x88, $3  }
0x1: {  	(tag) =	ssettag $0x0;
	lr =	simm.s32 $0x1  }
0x2: {  	[smem:$0x3F9E] =	sst lr;
	_ =	strace $0xD0000000  }
0x3: {  	_ = 	snop  }
0x4: {  	_ = 	snop  }
0x5: {  	_ = 	snop  }
0x6: {  	_ = 	snop  }
0x7: {  	_ = 	snop  }
__scs_overlays_trampoline_lowered:
0x8: {  	[smem:$0x3FAD] =	sst s0  }
0x9: {  	[smem:$0x3FAE] =	sst s1  }
0xa: {  	[smem:$0x3FAF] =	sst s2  }
0xb: {  	[smem:$0x3FB0] =	sst s3  }
0xc: {  	[smem:$0x3FB1] =	sst s4  }
0xd: {  	[smem:$0x3FB2] =	sst s5  }
0xe: {  	[smem:$0x3FB3] =	sst s6  }
0xf: {  	[smem:$0x3FB4] =	sst s7  }
0x10: {  	[smem:$0x3FB5] =	sst s8  }
0x11: {  	[smem:$0x3FB6] =	sst s9;
	s0 =	simm.s32 @!p0 $0x0  }
0x12: {  	s1 =	sld [smem:$0x3F9C];
	s0 =	simm.s32 @p0 $0x1  }
0x13: {  	[smem:$0x3FB7] =	sst s0;
	s0 =	simm.s32 @!p1 $0x0  }
0x14: {  	s2 =	sld [smem:$0x3F9B];
	s0 =	simm.s32 @p1 $0x1  }
0x15: {  	[smem:$0x3FB8] =	sst s0;
	s0 =	simm.s32 @!p2 $0x0  }
0x16: {  	s3 =	sld [smem:$0x3FDB];
	s0 =	simm.s32 @p2 $0x1  }
0x17: {  	s4 =	simm.s32 $0x1BF5;
	[smem:$0x3FBA] =	sst s0  }
0x18: {  	s0 =	sld [smem:$0x3F9D];
	_ =	swait.ge [sflag:s4], $0x0  }
0x19: {  	s7 =	sld [smem:$0x3F9E]  }
0x1a: {  	s8 =	sadd.s32 $0xFFFFE003, lr  }
0x1b: {  	s9 =	sadd.s32 $0xFFFFFEF7, lr;
	s5 =	simm.s32 $0xFFFFFFFF;
	p2 =	slt.u32 s8, $0xFFFFF086  }
0x1c: {  	p1 =	slt.u32 s9, $0xF7A;
	s5 =	simm.s32 @!p2 $0x0  }
0x1d: {  	s5 =	simm.s32 @p1 $0x1;
	p0 =	seq.s32 s7, s2  }
0x1e: {  	s7 =	smul.u32 @!p0 $0xF7A, s2;
	p2 =	seq.s32 @!p0 s5, $0x0  }
0x1f: {  	s9 =	smul.u32 $0xF7A, s1;
	s8 =	simm.s32 @!p0 $0x1BF5;
	p2 =	por !p2, p0  }
0x20: {  	[sflag:s8] =	ssyncset.s32 @!p0 $0xFFFFF086;
	s6 =	sadd.s32 @!p0 s3, s7;
	s7 =	simm.s32 @!p0 $0x108  }
0x21: {  	s3 =	sadd.s32 s3, s9;
	s6 =	sadd.s32 @!p0 $0x88, s6;
	s7 =	simm.s32 @p2 $0x1082  }
0x22: {  	[simem:s7], [sflag:s8] =	dma.local @!p0 [hbm:s6], $0xF7A  }
0x23: {  	s9 =	sor.u32 $0xD0000000, s2;
	s6 =	simm.s32 $0x108;
	_ =	swait.ge @!p0 [sflag:s8], $0x0  }
0x24: {  	s3 =	sadd.s32 $0x88, s3;
	s6 =	simm.s32 @!p1 $0x1082;
	[sflag:s4] =	ssyncset.s32 $0xFFFFF086  }
0x25: {  	[simem:s6], [sflag:s4] =	dma.local [hbm:s3], $0xF7A  }
0x26: {  	[smem:$0x3F9E] =	sst s1;
	(tag) =	ssettag s2;
	_ =	strace s9  }
0x27: {  	s1 =	sld [smem:$0x3FAE]  }
0x28: {  	s2 =	sld [smem:$0x3FAF]  }
0x29: {  	s4 =	sld [smem:$0x3FB1]  }
0x2a: {  	p0 =	seq.s32 s5, $0x0;
	s5 =	sld [smem:$0x3FB2]  }
0x2b: {  	s6 =	sld [smem:$0x3FB3]  }
0x2c: {  	s7 =	sld [smem:$0x3FB4]  }
0x2d: {  	s3 =	simm.s32 $0x108;
	s8 =	sld [smem:$0x3FB5]  }
0x2e: {  	s3 =	simm.s32 @!p0 $0x1082;
	s9 =	sld [smem:$0x3FB6]  }
0x2f: {  	lr =	sadd.s32 s0, s3;
	s0 =	sld [smem:$0x3FAD]  }
0x30: {  	s3 =	sld [smem:$0x3FB0]  }
0x31: {  	[smem:$0x3FB9] =	sst s10  }
0x32: {  	s10 =	sld [smem:$0x3FB7];
	_ =	sdelay $0x3  }
0x33: {  	p0 =	seq.s32 s10, $0x1;
	s10 =	sld [smem:$0x3FB9];
	_ =	sdelay $0x3  }
0x34: {  	[smem:$0x3FB9] =	sst s10  }
0x35: {  	s10 =	sld [smem:$0x3FB8];
	_ =	sdelay $0x3  }
0x36: {  	p1 =	seq.s32 s10, $0x1;
	s10 =	sld [smem:$0x3FB9];
	_ =	sdelay $0x3  }
0x37: {  	[smem:$0x3FB9] =	sst s10  }
0x38: {  	s10 =	sld [smem:$0x3FBA]  }
0x39: {  	_ = 	snop;
	(pc) =	sbr.ind lr, $3  }
0x3a: {  	_ = 	snop  }
0x3b: {  	_ = 	snop  }
0x3c: {  	p2 =	seq.s32 s10, $0x1;
	s10 =	sld [smem:$0x3FB9]  }
0x3d: {  	_ =	shalt  }
0x3e: {  	_ =	shalt  }
0x3f: {  	_ =	shalt  }
0x40: {  	_ =	shalt  }
0x41: {  	_ =	shalt  }
0x42: {  	_ =	shalt  }
0x43: {  	_ =	shalt  }
0x44: {  	_ =	shalt  }
0x45: {  	_ =	shalt  }
0x46: {  	_ =	shalt  }
0x47: {  	_ =	shalt  }
0x48: {  	_ =	shalt  }
0x49: {  	_ =	shalt  }
0x4a: {  	_ =	shalt  }
0x4b: {  	_ =	shalt  }
0x4c: {  	_ =	shalt  }
0x4d: {  	_ =	shalt  }
0x4e: {  	_ =	shalt  }
0x4f: {  	_ =	shalt  }
0x50: {  	_ =	shalt  }
0x51: {  	_ =	shalt  }
0x52: {  	_ =	shalt  }
0x53: {  	_ =	shalt  }
0x54: {  	_ =	shalt  }
0x55: {  	_ =	shalt  }
0x56: {  	_ =	shalt  }
0x57: {  	_ =	shalt  }
0x58: {  	_ =	shalt  }
0x59: {  	_ =	shalt  }
0x5a: {  	_ =	shalt  }
0x5b: {  	_ =	shalt  }
0x5c: {  	_ =	shalt  }
0x5d: {  	_ =	shalt  }
0x5e: {  	_ =	shalt  }
0x5f: {  	_ =	shalt  }
0x60: {  	_ =	shalt  }
0x61: {  	_ =	shalt  }
0x62: {  	_ =	shalt  }
0x63: {  	_ =	shalt  }
0x64: {  	_ =	shalt  }
0x65: {  	_ =	shalt  }
0x66: {  	_ =	shalt  }
0x67: {  	_ =	shalt  }
0x68: {  	_ =	shalt  }
0x69: {  	_ =	shalt  }
0x6a: {  	_ =	shalt  }
0x6b: {  	_ =	shalt  }
0x6c: {  	_ =	shalt  }
0x6d: {  	_ =	shalt  }
0x6e: {  	_ =	shalt  }
0x6f: {  	_ =	shalt  }
0x70: {  	_ =	shalt  }
0x71: {  	_ =	shalt  }
0x72: {  	_ =	shalt  }
0x73: {  	_ =	shalt  }
0x74: {  	_ =	shalt  }
0x75: {  	_ =	shalt  }
0x76: {  	_ =	shalt  }
0x77: {  	_ =	shalt  }
0x78: {  	_ =	shalt  }
0x79: {  	_ =	shalt  }
0x7a: {  	_ =	shalt  }
0x7b: {  	_ =	shalt  }
0x7c: {  	_ =	shalt  }
0x7d: {  	_ =	shalt  }
0x7e: {  	_ =	shalt  }
0x7f: {  	_ =	shalt  }
0x80: {  	_ =	shalt  }
0x81: {  	_ =	shalt  }
0x82: {  	_ =	shalt  }
0x83: {  	_ =	shalt  }
0x84: {  	_ =	shalt  }
0x85: {  	_ =	shalt  }
0x86: {  	_ =	shalt  }
0x87: {  	_ =	shalt  }
.Lfunc_end0:
.L_simem_size_0:
called_computation.1_lowered:
.L_overlay_start_0:
0x88: {  	s2 =	sld [smem:$0x3FD9]  }
0x89: {  	s3 =	sld [smem:$0x3FFE];
	_ =	sdelay $0x1  }
0x8a: {  	s1 =	srdreg.scid  }
0x8b: {  	s0 =	sand.u32 $0x1, s1  }
0x8c: {  	s17 =	sshll.u32 s0, $0xA;
	s2 =	sadd.s32 s3, s2  }
0x8d: {  	s2 =	sadd.s32 s2, s17  }
0x8e: {  	[smem:$0x3FC5] =	sst s2  }
0x8f: {  	_ = 	snop  }
0x90: {  	s2 =	sld [smem:$0x3FC9]  }
0x91: {  	s18 =	sld [smem:$0x3FD0];
	(tm) =	ssettm $0x1  }
0x92: {  	s4 =	sld [smem:$0x3FFB];
	_ =	sdelay $0x3  }
0x93: {  	_ =	strace s4  }
0x94: {  	s4 =	sld [smem:$0x3FFC];
	_ =	sdelay $0x3  }
0x95: {  	_ =	strace s4  }
0x96: {  	s4 =	sld [smem:$0x3FFD];
	_ =	sdelay $0x3  }
0x97: {  	_ =	strace s4  }
0x98: {  	_ =	strace $0x8FFFFFFF  }
0x99: {  	s19 =	sld [smem:$0x3FDB];
	_ =	sdelay $0x1  }
0x9a: {  	s5 =	simm.s32 $_scs_section_size  }
0x9b: {  	s6 =	simm.s32 $_size__tile_overlayer_lowered;
	s7 =	simm.s32 $_tile_overlayer_lowered  }
0x9c: {  	s22 =	simm.s32 $0x1BFF;
	s21 =	sshll.u32 s7, $0x1;
	s4 =	sadd.s32 s5, s19  }
0x9d: {  	s8 =	simm.s32 $0x0;
	s20 =	sshll.u32 s6, $0x1;
	s6 =	sadd.s32 s21, s4  }
0x9e: {  	[timem:s8], [sflag:s22] =	dma.local [hbm:s6], s20  }
0x9f: {  	_ =	swait.ge [sflag:s22], s20  }
0xa0: {  	s5 =	ssub.s32 $0x0, s20;
	[sflag:s22] =	ssyncset.done $0x0  }
0xa1: {  	[sflag:s22] =	ssyncadd.s32 s5;
	_ =	sdelay $0x1  }
0xa2: {  	s23 =	simm.s32 $0x1B8B  }
0xa3: {  	_ =	swait.ge [sflag:s23], $0x1  }
0xa4: {  	[sflag:s23] =	ssyncset.done $0x0  }
0xa5: {  	s25 =	simm.s32 $0x1B8E;
	s24 =	sld [smem:$0x3FFE];
	[sflag:s23] =	ssyncadd.s32 $0xFFFFFFFF  }
0xa6: {  	s26 =	simm.s32 $execute0_lowered;
	[smem:$0x3FD2] =	sst s25  }
0xa7: {  	s6 =	sshll.u32 s26, $0x1;
	_ =	strace $0x80000046;
	[dreg:$0x1] =	wrdreg $0xFFFFFFFF  }
0xa8: {  	s28 =	simm.s32 $_size_execute0_lowered;
	s4 =	sadd.s32 s4, s6;
	[dreg:$0x0] =	wrdreg $0x0  }
0xa9: {  	s6 =	sshll.u32 s28, $0x1;
	[dreg:$0x2] =	wrdreg s4  }
0xaa: {  	[dreg:$0x3] =	wrdreg s6  }
0xab: {  	[dreg:$0x4] =	wrdreg $0xC0  }
0xac: {  	_ =	task [dreg:s8], $0x5FFFF  }
0xad: {  	[dreg:$0x1] =	wrdreg $0xFFFFFFFF  }
0xae: {  	[dreg:$0x0] =	wrdreg $0x60  }
0xaf: {  	[dreg:$0x2] =	wrdreg s2  }
0xb0: {  	[dreg:$0x3] =	wrdreg s24  }
0xb1: {  	[dreg:$0x4] =	wrdreg s18  }
0xb2: {  	[dreg:$0x5] =	wrdreg $0x9  }
0xb3: {  	_ =	task.clear_ibuf [dreg:s8], $0x6FFFF;
	_ =	strace $0x90000046  }
0xb4: {  	s29 =	simm.s32 $0x9;
	_ =	strace $0x80000048  }
0xb5: {  	_ =	swait.ge [sflag:s29], $0x1  }
0xb6: {  	[sflag:s29] =	ssyncadd.s32 $0xFFFFFFFF  }
0xb7: {  	_ =	strace $0x90000048  }
0xb8: {  	_ =	sfence  }
0xb9: {  	s30 =	sld [smem:$0x0];
	_ =	sdelay $0x2  }
0xba: {  	s31 =	sshll.u32 s1, $0xD;
	s1 =	sshrl.u32 s1, $0x2  }
0xbb: {  	s3 =	sand.u32 $0x4000, s31;
	s1 =	sadd.s32 s1, s30  }
0xbc: {  	s0 =	sor.u32 s3, s0;
	s1 =	sshll.u32 s1, $0x11  }
0xbd: {  	s0 =	sor.u32 s1, s0  }
0xbe: {  	s0 =	sadd.s32 $0x8F2B, s0  }
0xbf: {  	[sflag:s0] =	ssyncadd.remote.s32 $0x1  }
0xc0: {  	_ =	sfence.sel $0xFFFF  }
0xc1: {  	[dreg:$0x0] =	wrdreg $0xFFFFFFFF;
	(pc) =	sbr.abs _section_cstart, $3  }
0xc2: {  	[dreg:$0x1] =	wrdreg $0xFFFFFFFF  }
0xc3: {  	_ =	task.clear_ibuf [dreg:s8], $0x2FFFF;
	_ =	strace $0x9FFFFFFF  }
0xc4: {  	(tm) =	ssettm $0x7FFFFFFF  }
0xc5: {  	_ =	shalt  }
tec
execute0_lowered:
.L_overlay_start_1:
0x0: {  	(tag) =	ssettag $0x1  }
0x1: {  	s0 =	rddreg [dreg:$0x0]  }
0x2: {  	s1 =	rddreg [dreg:$0x1];
	s3 =	srdreg.scid  }
0x3: {  	s4 =	stileid.u32;
	s2 =	rddreg [dreg:$0x2]  }
0x4: {  	s11 =	simm.s32 $0x3;
	s13 =	simm.s32 $0x80;
	s14 =	simm.s32 $0x6400  }
0x5: {  	s15 =	simm.s32 $0x48;
	s18 =	simm.s32 $0x9600;
	s20 =	simm.s32 $0xB600  }
0x6: {  	s21 =	simm.s32 $0x190;
	s22 =	simm.s32 $0xC800;
	s23 =	simm.s32 $0x210  }
0x7: {  	s24 =	simm.s32 $0xE800;
	s25 =	simm.s32 $0x1;
	s26 =	simm.s32 $0xFA00  }
0x8: {  	s28 =	simm.s32 $0x11A00;
	s29 =	simm.s32 $0x2;
	s30 =	simm.s32 $0x0  }
0x9: {  	s6 =	sand.u32 $0x1, s3;
	s4 =	sshll.u32 s4, $0x1;
	s3 =	simm.s32 $0x0  }
.Ltmp0:
0xa: {  	s5 =	sadd.s32 $0xF42E00, s1;
	s4 =	sor.u32 s6, s4;
	(pc) =	sbr.rel .LBB2_1-.Ltmp0, $4  }
0xb: {  	[smem:$0x7FF] =	sst s3;
	s7 =	ssub.s32 $0x2, s6;
	s4 =	smul.u32 $0x3200, s4  }
0xc: {  	s6 =	sadd.s32 $0xA00, s1;
	_ =	strace $0x80000047;
	s31 =	sshrl.u32 s7, $0x1  }
0xd: {  	s1 =	ssub.s32 s7, s31;
	s8 =	sshrl.u32 s4, $0x3;
	s9 =	sor.u32 $0x190, s4  }
0xe: {  	s10 =	smax.u32 s1, $0x1;
	s7 =	sadd.s32 s0, s8;
	s8 =	sor.u32 $0xC8, s4  }
.LBB2_12:
0xf: {  	_ =	swait.ge [sflag:s29], $0x3200  }
0x10: {  	[sflag:s29] =	ssyncset.done $0x0  }
0x11: {  	s30 =	sadd.s32 $0x1, s30;
	[sflag:s29] =	ssyncadd.s32 $0xFFFFCE00  }
0x12: {  	p0 =	sne.s32 s30, s10;
	_ =	swait.ge [sflag:s29], $0x3200  }
.Ltmp1:
0x13: {  	[sflag:s29] =	ssyncset.done $0x0;
	(pc) =	sbr.rel @!p0 .LBB2_13-.Ltmp1, $4  }
0x14: {  	[sflag:s29] =	ssyncadd.s32 $0xFFFFCE00  }
0x15: {  	_ =	swait.ge [sflag:s29], $0x3200  }
0x16: {  	[sflag:s29] =	ssyncset.done $0x0  }
0x17: {  	[sflag:s29] =	ssyncadd.s32 $0xFFFFCE00  }
.LBB2_1:
0x18: {  	[tilespmem:s3], [sflag:$0x3] =	stream.linear.gather [hbm4b:s7+s3], $0x3200, $0x38;
	[tilespmem:$0x12C00] =	vst v63  }
0x19: {  	_ =	swait.ge [sflag:s11], $0x3200  }
0x1a: {  	[sflag:s11] =	ssyncset.done $0x0  }
0x1b: {  	s0 =	simm.s32 $0x3200;
	[sflag:s11] =	ssyncadd.s32 $0xFFFFCE00  }
0x1c: {  	[tilespmem:s0], [sflag:$0x3] =	stream.linear.gather [hbm4b:s6+s3], $0x3200, $0x38;
	[tilespmem:$0x12C00] =	vst v63  }
0x1d: {  	_ =	swait.ge [sflag:s11], $0x3200  }
0x1e: {  	[sflag:s11] =	ssyncset.done $0x0  }
0x1f: {  	[sflag:s11] =	ssyncadd.s32 $0xFFFFCE00  }
0x20: {  	[tilespmem:s14], [sflag:$0x1] =	stream.indirect.gather [hbm4b:s5+s13], $0x40, s3, s13, $0xb8;
	[tilespmem:$0x12C00] =	vst v63  }
0x21: {  	s16 =	simm.s32 $0x8400  }
0x22: {  	[tilespmem:s16], [sflag:$0x1] =	stream.indirect.gather [hbm4b:s5+s15], $0x40, s13, s15, $0xb8;
	[tilespmem:$0x12C00] =	vst v63  }
0x23: {  	s17 =	simm.s32 $0xC8  }
0x24: {  	[tilespmem:s18], [sflag:$0x1] =	stream.indirect.gather [hbm4b:s5+s13], $0x40, s17, s13, $0xb8;
	[tilespmem:$0x12C00] =	vst v63  }
0x25: {  	s19 =	simm.s32 $0x148  }
0x26: {  	[tilespmem:s20], [sflag:$0x1] =	stream.indirect.gather [hbm4b:s5+s15], $0x40, s19, s15, $0xb8;
	[tilespmem:$0x12C00] =	vst v63  }
0x27: {  	_ = 	snop  }
0x28: {  	[tilespmem:s22], [sflag:$0x1] =	stream.indirect.gather [hbm4b:s5+s13], $0x40, s21, s13, $0xb8;
	[tilespmem:$0x12C00] =	vst v63  }
0x29: {  	s31 =	simm.s32 $0x0  }
0x2a: {  	[tilespmem:s24], [sflag:$0x1] =	stream.indirect.gather [hbm4b:s5+s15], $0x40, s23, s15, $0xb8;
	[tilespmem:$0x12C00] =	vst v63  }
.LBB2_2:
0x2b: {  	_ =	swait.ge [sflag:s25], $0x2000  }
0x2c: {  	[sflag:s25] =	ssyncset.done $0x0  }
0x2d: {  	[sflag:s25] =	ssyncadd.s32 $0xFFFFE000  }
0x2e: {  	_ =	swait.ge [sflag:s25], $0x1200  }
0x2f: {  	[sflag:s25] =	ssyncset.done $0x0  }
0x30: {  	s0 =	simm.s32 $0x6440;
	[sflag:s25] =	ssyncadd.s32 $0xFFFFEE00  }
0x31: {  	s1 =	simm.s32 $0x3240;
	v0 =	vld [tilespmem:s0+$0xFFFFFFC0]  }
0x32: {  	v1 =	vld [tilespmem:s1+$0xFFFFFFC0];
	_ =	sdelay $0x4  }
0x33: {  	v0 =	vadd.f32 v1, v0;
	_ =	sdelay $0x1  }
0x34: {  	[tilespmem:s0+$0xFFFFFFC0] =	vst v0;
	v0 =	vld [tilespmem:s0+$0xFFFFFFD0]  }
0x35: {  	v1 =	vld [tilespmem:s1+$0xFFFFFFD0];
	_ =	sdelay $0x4  }
0x36: {  	v0 =	vadd.f32 v1, v0;
	_ =	sdelay $0x1  }
0x37: {  	[tilespmem:s0+$0xFFFFFFD0] =	vst v0;
	v0 =	vld [tilespmem:s0+$0xFFFFFFE0]  }
0x38: {  	v1 =	vld [tilespmem:s1+$0xFFFFFFE0];
	_ =	sdelay $0x4  }
0x39: {  	v0 =	vadd.f32 v1, v0;
	_ =	sdelay $0x1  }
0x3a: {  	[tilespmem:s0+$0xFFFFFFE0] =	vst v0;
	v0 =	vld [tilespmem:s0+$0xFFFFFFF0]  }
0x3b: {  	v1 =	vld [tilespmem:s1+$0xFFFFFFF0];
	_ =	sdelay $0x4  }
0x3c: {  	v0 =	vadd.f32 v1, v0;
	_ =	sdelay $0x1  }
0x3d: {  	[tilespmem:s0+$0xFFFFFFF0] =	vst v0;
	v0 =	vld [tilespmem:s0+$0x0]  }
0x3e: {  	v1 =	vld [tilespmem:s1+$0x0];
	_ =	sdelay $0x4  }
0x3f: {  	v0 =	vadd.f32 v1, v0;
	_ =	sdelay $0x1  }
0x40: {  	[tilespmem:s0+$0x0] =	vst v0;
	v0 =	vld [tilespmem:s0+$0x10]  }
0x41: {  	v1 =	vld [tilespmem:s1+$0x10];
	_ =	sdelay $0x4  }
0x42: {  	v0 =	vadd.f32 v1, v0;
	_ =	sdelay $0x1  }
0x43: {  	[tilespmem:s0+$0x10] =	vst v0;
	v0 =	vld [tilespmem:s0+$0x20]  }
0x44: {  	v1 =	vld [tilespmem:s1+$0x20];
	_ =	sdelay $0x4  }
0x45: {  	v0 =	vadd.f32 v1, v0;
	_ =	sdelay $0x1  }
0x46: {  	[tilespmem:s0+$0x20] =	vst v0;
	v0 =	vld [tilespmem:s0+$0x30]  }
0x47: {  	v1 =	vld [tilespmem:s1+$0x30];
	_ =	sdelay $0x4  }
0x48: {  	v0 =	vadd.f32 v1, v0  }
0x49: {  	s12 =	simm.s32 $0x0;
	s16 =	simm.s32 $0x64C0  }
.LBB2_3:
0x4a: {  	v1 =	vld [tilespmem:s16+$0xFFFFFFC0];
	[tilespmem:s0+$0x30] =	vst v0;
	s1 =	sadd.s32 $0x80, s1;
	s0 =	smov.u32 s16  }
0x4b: {  	s12 =	sadd.s32 $0x2, s12;
	v0 =	vld [tilespmem:s1+$0xFFFFFFC0]  }
0x4c: {  	p0 =	slt.u32 s12, $0xC6;
	_ =	sdelay $0x3  }
0x4d: {  	v0 =	vadd.f32 v0, v1;
	_ =	sdelay $0x1  }
0x4e: {  	[tilespmem:s16+$0xFFFFFFC0] =	vst v0;
	v0 =	vld [tilespmem:s16+$0xFFFFFFD0]  }
0x4f: {  	v1 =	vld [tilespmem:s1+$0xFFFFFFD0];
	_ =	sdelay $0x4  }
0x50: {  	v0 =	vadd.f32 v1, v0;
	_ =	sdelay $0x1  }
0x51: {  	[tilespmem:s16+$0xFFFFFFD0] =	vst v0;
	v0 =	vld [tilespmem:s16+$0xFFFFFFE0]  }
0x52: {  	v1 =	vld [tilespmem:s1+$0xFFFFFFE0];
	_ =	sdelay $0x4  }
0x53: {  	v0 =	vadd.f32 v1, v0;
	_ =	sdelay $0x1  }
0x54: {  	[tilespmem:s16+$0xFFFFFFE0] =	vst v0;
	v0 =	vld [tilespmem:s16+$0xFFFFFFF0]  }
0x55: {  	v1 =	vld [tilespmem:s1+$0xFFFFFFF0];
	_ =	sdelay $0x4  }
0x56: {  	v0 =	vadd.f32 v1, v0;
	_ =	sdelay $0x1  }
0x57: {  	[tilespmem:s16+$0xFFFFFFF0] =	vst v0;
	v0 =	vld [tilespmem:s16+$0x0]  }
0x58: {  	v1 =	vld [tilespmem:s1+$0x0];
	_ =	sdelay $0x4  }
0x59: {  	v0 =	vadd.f32 v1, v0;
	_ =	sdelay $0x1  }
0x5a: {  	[tilespmem:s16+$0x0] =	vst v0;
	v0 =	vld [tilespmem:s16+$0x10]  }
0x5b: {  	v1 =	vld [tilespmem:s1+$0x10];
	_ =	sdelay $0x4  }
0x5c: {  	v0 =	vadd.f32 v1, v0;
	_ =	sdelay $0x1  }
0x5d: {  	[tilespmem:s16+$0x10] =	vst v0;
	v0 =	vld [tilespmem:s16+$0x20]  }
0x5e: {  	v1 =	vld [tilespmem:s1+$0x20];
	_ =	sdelay $0x4  }
0x5f: {  	v0 =	vadd.f32 v1, v0;
	_ =	sdelay $0x1  }
0x60: {  	[tilespmem:s16+$0x20] =	vst v0;
	v0 =	vld [tilespmem:s16+$0x30]  }
0x61: {  	v1 =	vld [tilespmem:s1+$0x30];
	_ =	sdelay $0x1  }
.Ltmp2:
0x62: {  	(pc) =	sbr.rel @p0 .LBB2_3-.Ltmp2, $3  }
0x63: {  	_ =	sdelay $0x1  }
0x64: {  	v0 =	vadd.f32 v1, v0  }
0x65: {  	s16 =	sadd.s32 $0x80, s16  }
0x66: {  	s1 =	smul.u32 $0x320, s31;
	_ =	sdelay $0x1  }
0x67: {  	s12 =	sadd.s32 s4, s1  }
0x68: {  	p0 =	seq.s32 s31, $0x0;
	s12 =	sshll.u32 s12, $0x3  }
0x69: {  	[tilespmem:s0+$0x30] =	vst v0;
	s0 =	simm.s32 @!p0 $0x2;
	s17 =	sadd.s32 s2, s12  }
0x6a: {  	[hbm4b:s17+s3] =	stream.linear.scatter [tilespmem:s14], [sflag:$0x2], $0x3200, $0x38;
	[tilespmem:$0x12C00] =	vst v63  }
0x6b: {  	_ =	swait.ge @!p0 [sflag:s0], $0x3200  }
0x6c: {  	[sflag:s0] =	ssyncset.done @!p0 $0x0  }
0x6d: {  	[sflag:s0] =	ssyncadd.s32 @!p0 $0xFFFFCE00;
	s0 =	sadd.s32 $0x258, s1  }
0x6e: {  	[tilespmem:s26], [sflag:$0x1] =	stream.indirect.gather [hbm4b:s5+s13], $0x40, s0, s13, $0xb8;
	[tilespmem:$0x12C00] =	vst v63  }
0x6f: {  	s19 =	sadd.s32 $0x2D8, s1  }
0x70: {  	[tilespmem:s28], [sflag:$0x1] =	stream.indirect.gather [hbm4b:s5+s15], $0x40, s19, s15, $0xb8;
	[tilespmem:$0x12C00] =	vst v63  }
0x71: {  	_ =	swait.ge [sflag:s25], $0x2000  }
0x72: {  	[sflag:s25] =	ssyncset.done $0x0  }
0x73: {  	[sflag:s25] =	ssyncadd.s32 $0xFFFFE000  }
0x74: {  	_ =	swait.ge [sflag:s25], $0x1200  }
0x75: {  	[sflag:s25] =	ssyncset.done $0x0  }
0x76: {  	s12 =	simm.s32 $0x9670;
	[sflag:s25] =	ssyncadd.s32 $0xFFFFEE00  }
0x77: {  	s16 =	simm.s32 $0x3240;
	v0 =	vld [tilespmem:s12+$0xFFFFFF90]  }
0x78: {  	v1 =	vld [tilespmem:s16+$0xFFFFFFC0];
	_ =	sdelay $0x4  }
0x79: {  	v0 =	vadd.f32 v1, v0;
	_ =	sdelay $0x1  }
0x7a: {  	[tilespmem:s12+$0xFFFFFF90] =	vst v0;
	v0 =	vld [tilespmem:s12+$0xFFFFFFA0]  }
0x7b: {  	v1 =	vld [tilespmem:s16+$0xFFFFFFD0];
	_ =	sdelay $0x4  }
0x7c: {  	v0 =	vadd.f32 v1, v0;
	_ =	sdelay $0x1  }
0x7d: {  	[tilespmem:s12+$0xFFFFFFA0] =	vst v0;
	v0 =	vld [tilespmem:s12+$0xFFFFFFB0]  }
0x7e: {  	v1 =	vld [tilespmem:s16+$0xFFFFFFE0];
	_ =	sdelay $0x4  }
0x7f: {  	v0 =	vadd.f32 v1, v0;
	_ =	sdelay $0x1  }
0x80: {  	[tilespmem:s12+$0xFFFFFFB0] =	vst v0;
	v0 =	vld [tilespmem:s12+$0xFFFFFFC0]  }
0x81: {  	v1 =	vld [tilespmem:s16+$0xFFFFFFF0];
	_ =	sdelay $0x4  }
0x82: {  	v0 =	vadd.f32 v1, v0;
	_ =	sdelay $0x1  }
0x83: {  	[tilespmem:s12+$0xFFFFFFC0] =	vst v0;
	v0 =	vld [tilespmem:s12+$0xFFFFFFD0]  }
0x84: {  	v1 =	vld [tilespmem:s16+$0x0];
	_ =	sdelay $0x4  }
0x85: {  	v0 =	vadd.f32 v1, v0;
	_ =	sdelay $0x1  }
0x86: {  	[tilespmem:s12+$0xFFFFFFD0] =	vst v0;
	v0 =	vld [tilespmem:s12+$0xFFFFFFE0]  }
0x87: {  	v1 =	vld [tilespmem:s16+$0x10];
	_ =	sdelay $0x4  }
0x88: {  	v0 =	vadd.f32 v1, v0;
	_ =	sdelay $0x1  }
0x89: {  	[tilespmem:s12+$0xFFFFFFE0] =	vst v0;
	v0 =	vld [tilespmem:s12+$0xFFFFFFF0]  }
0x8a: {  	v1 =	vld [tilespmem:s16+$0x20];
	_ =	sdelay $0x4  }
0x8b: {  	v0 =	vadd.f32 v1, v0;
	_ =	sdelay $0x1  }
0x8c: {  	[tilespmem:s12+$0xFFFFFFF0] =	vst v0;
	v0 =	vld [tilespmem:s12+$0x0]  }
0x8d: {  	v1 =	vld [tilespmem:s16+$0x30];
	_ =	sdelay $0x4  }
0x8e: {  	v0 =	vadd.f32 v1, v0  }
0x8f: {  	s17 =	simm.s32 $0x0;
	s19 =	simm.s32 $0x96F0  }
.LBB2_5:
0x90: {  	v1 =	vld [tilespmem:s19+$0xFFFFFF90];
	[tilespmem:s12+$0x0] =	vst v0;
	s16 =	sadd.s32 $0x80, s16;
	s12 =	smov.u32 s19  }
0x91: {  	s17 =	sadd.s32 $0x2, s17;
	v0 =	vld [tilespmem:s16+$0xFFFFFFC0]  }
0x92: {  	p0 =	slt.u32 s17, $0xC6;
	_ =	sdelay $0x3  }
0x93: {  	v0 =	vadd.f32 v0, v1;
	_ =	sdelay $0x1  }
0x94: {  	[tilespmem:s19+$0xFFFFFF90] =	vst v0;
	v0 =	vld [tilespmem:s19+$0xFFFFFFA0]  }
0x95: {  	v1 =	vld [tilespmem:s16+$0xFFFFFFD0];
	_ =	sdelay $0x4  }
0x96: {  	v0 =	vadd.f32 v1, v0;
	_ =	sdelay $0x1  }
0x97: {  	[tilespmem:s19+$0xFFFFFFA0] =	vst v0;
	v0 =	vld [tilespmem:s19+$0xFFFFFFB0]  }
0x98: {  	v1 =	vld [tilespmem:s16+$0xFFFFFFE0];
	_ =	sdelay $0x4  }
0x99: {  	v0 =	vadd.f32 v1, v0;
	_ =	sdelay $0x1  }
0x9a: {  	[tilespmem:s19+$0xFFFFFFB0] =	vst v0;
	v0 =	vld [tilespmem:s19+$0xFFFFFFC0]  }
0x9b: {  	v1 =	vld [tilespmem:s16+$0xFFFFFFF0];
	_ =	sdelay $0x4  }
0x9c: {  	v0 =	vadd.f32 v1, v0;
	_ =	sdelay $0x1  }
0x9d: {  	[tilespmem:s19+$0xFFFFFFC0] =	vst v0;
	v0 =	vld [tilespmem:s19+$0xFFFFFFD0]  }
0x9e: {  	v1 =	vld [tilespmem:s16+$0x0];
	_ =	sdelay $0x4  }
0x9f: {  	v0 =	vadd.f32 v1, v0;
	_ =	sdelay $0x1  }
0xa0: {  	[tilespmem:s19+$0xFFFFFFD0] =	vst v0;
	v0 =	vld [tilespmem:s19+$0xFFFFFFE0]  }
0xa1: {  	v1 =	vld [tilespmem:s16+$0x10];
	_ =	sdelay $0x4  }
0xa2: {  	v0 =	vadd.f32 v1, v0;
	_ =	sdelay $0x1  }
0xa3: {  	[tilespmem:s19+$0xFFFFFFE0] =	vst v0;
	v0 =	vld [tilespmem:s19+$0xFFFFFFF0]  }
0xa4: {  	v1 =	vld [tilespmem:s16+$0x20];
	_ =	sdelay $0x4  }
0xa5: {  	v0 =	vadd.f32 v1, v0;
	_ =	sdelay $0x1  }
0xa6: {  	[tilespmem:s19+$0xFFFFFFF0] =	vst v0;
	v0 =	vld [tilespmem:s19+$0x0]  }
0xa7: {  	v1 =	vld [tilespmem:s16+$0x30];
	_ =	sdelay $0x1  }
.Ltmp3:
0xa8: {  	(pc) =	sbr.rel @p0 .LBB2_5-.Ltmp3, $3  }
0xa9: {  	_ =	sdelay $0x1  }
0xaa: {  	v0 =	vadd.f32 v1, v0  }
0xab: {  	s19 =	sadd.s32 $0x80, s19  }
0xac: {  	s16 =	sadd.s32 s1, s8  }
0xad: {  	s16 =	sshll.u32 s16, $0x3  }
0xae: {  	p0 =	seq.s32 s31, $0xF;
	s16 =	sand.u32 $0x1FFFFF40, s16  }
0xaf: {  	[tilespmem:s12+$0x0] =	vst v0;
	s12 =	simm.s32 @!p0 $0x2;
	s19 =	sadd.s32 s2, s16  }
0xb0: {  	[hbm4b:s19+s3] =	stream.linear.scatter [tilespmem:s18], [sflag:$0x2], $0x3200, $0x38;
	[tilespmem:$0x12C00] =	vst v63  }
0xb1: {  	_ =	swait.ge @!p0 [sflag:s12], $0x3200  }
0xb2: {  	s17 =	simm.s32 @!p0 $0x6400;
	[sflag:s12] =	ssyncset.done @!p0 $0x0  }
0xb3: {  	s16 =	simm.s32 @!p0 $0x80;
	[sflag:s12] =	ssyncadd.s32 @!p0 $0xFFFFCE00;
	s12 =	sadd.s32 @!p0 $0x320, s1  }
0xb4: {  	[tilespmem:s17], [sflag:$0x1] =	stream.indirect.gather @!p0 [hbm4b:s5+s16], $0x40, s12, s16, $0xb8;
	[tilespmem:$0x12C00] =	vst v63  }
0xb5: {  	s12 =	sadd.s32 @!p0 $0x3A0, s1;
	s16 =	simm.s32 @!p0 $0x48;
	s17 =	simm.s32 @!p0 $0x8400  }
0xb6: {  	[tilespmem:s17], [sflag:$0x1] =	stream.indirect.gather @!p0 [hbm4b:s5+s16], $0x40, s12, s16, $0xb8;
	[tilespmem:$0x12C00] =	vst v63  }
0xb7: {  	_ =	swait.ge [sflag:s25], $0x2000  }
0xb8: {  	[sflag:s25] =	ssyncset.done $0x0  }
0xb9: {  	[sflag:s25] =	ssyncadd.s32 $0xFFFFE000  }
0xba: {  	_ =	swait.ge [sflag:s25], $0x1200  }
0xbb: {  	[sflag:s25] =	ssyncset.done $0x0  }
0xbc: {  	s12 =	simm.s32 $0x0;
	[sflag:s25] =	ssyncadd.s32 $0xFFFFEE00  }
0xbd: {  	v3 =	vld [tilespmem:s12+$0xC850]  }
0xbe: {  	v1 =	vld [tilespmem:s12+$0x3270]  }
0xbf: {  	v2 =	vld [tilespmem:s12+$0xC870]  }
0xc0: {  	v4 =	vld [tilespmem:s12+$0x3260]  }
0xc1: {  	v5 =	vld [tilespmem:s12+$0xC860]  }
0xc2: {  	v6 =	vld [tilespmem:s12+$0x3250]  }
0xc3: {  	v0 =	vld [tilespmem:s12+$0xC840]  }
0xc4: {  	v7 =	vld [tilespmem:s12+$0x3230]  }
0xc5: {  	v8 =	vld [tilespmem:s12+$0xC830]  }
0xc6: {  	v2 =	vadd.f32 v1, v2;
	v1 =	vld [tilespmem:s12+$0x3220]  }
0xc7: {  	v5 =	vadd.f32 v4, v5;
	v4 =	vld [tilespmem:s12+$0x3210]  }
0xc8: {  	v6 =	vadd.f32 v6, v3;
	v3 =	vld [tilespmem:s12+$0x3200]  }
0xc9: {  	[tilespmem:s12+$0xC870] =	vst v2;
	v2 =	vld [tilespmem:s12+$0xC820]  }
0xca: {  	[tilespmem:s12+$0xC850] =	vst v6;
	v6 =	vld [tilespmem:s12+$0xC810]  }
0xcb: {  	s16 =	simm.s32 $0x0;
	s17 =	simm.s32 $0x200;
	v7 =	vadd.f32 v7, v8;
	[tilespmem:s12+$0xC860] =	vst v5;
	v5 =	vld [tilespmem:s12+$0x3240]  }
.LBB2_7:
0xcc: {  	s19 =	sshra.s32 s17, $0x2;
	s16 =	sadd.s32 $0x2, s16;
	v8 =	vld [tilespmem:s12+$0xC800]  }
0xcd: {  	v9 =	vld [tilespmem:s19+$0xC850];
	p1 =	slt.u32 s16, $0xC6  }
0xce: {  	v10 =	vld [tilespmem:s19+$0x3270]  }
0xcf: {  	v11 =	vld [tilespmem:s19+$0xC870];
	v4 =	vadd.f32 v4, v6;
	[tilespmem:s12+$0xC830] =	vst v7  }
0xd0: {  	v1 =	vadd.f32 v1, v2;
	v6 =	vld [tilespmem:s19+$0x3260];
	v0 =	vadd.f32 v5, v0  }
0xd1: {  	v2 =	vld [tilespmem:s19+$0xC860];
	v3 =	vadd.f32 v3, v8;
	[tilespmem:s12+$0xC810] =	vst v4  }
0xd2: {  	v4 =	vld [tilespmem:s19+$0x3250];
	[tilespmem:s12+$0xC840] =	vst v0  }
0xd3: {  	v0 =	vld [tilespmem:s19+$0xC840];
	[tilespmem:s12+$0xC820] =	vst v1  }
0xd4: {  	v5 =	vld [tilespmem:s19+$0x3230];
	v7 =	vadd.f32 v10, v11;
	[tilespmem:s12+$0xC800] =	vst v3;
	s12 =	smov.u32 s19  }
0xd5: {  	v8 =	vld [tilespmem:s12+$0xC830]  }
0xd6: {  	v1 =	vld [tilespmem:s12+$0x3220];
	v3 =	vadd.f32 v6, v2;
	[tilespmem:s12+$0xC870] =	vst v7  }
.Ltmp4:
0xd7: {  	v2 =	vld [tilespmem:s12+$0xC820];
	v6 =	vadd.f32 v4, v9;
	(pc) =	sbr.rel @p1 .LBB2_7-.Ltmp4, $4  }
0xd8: {  	v4 =	vld [tilespmem:s12+$0x3210];
	[tilespmem:s12+$0xC860] =	vst v3  }
0xd9: {  	v3 =	vld [tilespmem:s12+$0x3200];
	[tilespmem:s12+$0xC850] =	vst v6  }
0xda: {  	v6 =	vld [tilespmem:s12+$0xC810];
	v7 =	vadd.f32 v5, v8  }
0xdb: {  	s17 =	sadd.s32 $0x200, s17;
	v5 =	vld [tilespmem:s12+$0x3240]  }
0xdc: {  	v8 =	vld [tilespmem:s12+$0xC800];
	_ =	sdelay $0x1  }
0xdd: {  	v1 =	vadd.f32 v1, v2  }
0xde: {  	[tilespmem:s12+$0xC830] =	vst v7;
	v4 =	vadd.f32 v4, v6  }
0xdf: {  	s16 =	sadd.s32 s1, s9;
	[tilespmem:s12+$0xC820] =	vst v1;
	v0 =	vadd.f32 v5, v0  }
0xe0: {  	s16 =	sshll.u32 s16, $0x3;
	[tilespmem:s12+$0xC810] =	vst v4;
	v2 =	vadd.f32 v3, v8  }
0xe1: {  	s16 =	sand.u32 $0x1FFFFF80, s16;
	[tilespmem:s12+$0xC840] =	vst v0  }
0xe2: {  	s19 =	sadd.s32 s2, s16;
	[tilespmem:s12+$0xC800] =	vst v2;
	s12 =	simm.s32 @!p0 $0x2  }
0xe3: {  	[hbm4b:s19+s3] =	stream.linear.scatter [tilespmem:s22], [sflag:$0x2], $0x3200, $0x38;
	[tilespmem:$0x12C00] =	vst v63  }
0xe4: {  	_ =	swait.ge @!p0 [sflag:s12], $0x3200  }
0xe5: {  	s17 =	simm.s32 @!p0 $0x9600;
	[sflag:s12] =	ssyncset.done @!p0 $0x0  }
0xe6: {  	s16 =	simm.s32 @!p0 $0x80;
	[sflag:s12] =	ssyncadd.s32 @!p0 $0xFFFFCE00;
	s12 =	sadd.s32 @!p0 $0x3E8, s1  }
0xe7: {  	[tilespmem:s17], [sflag:$0x1] =	stream.indirect.gather @!p0 [hbm4b:s5+s16], $0x40, s12, s16, $0xb8;
	[tilespmem:$0x12C00] =	vst v63  }
0xe8: {  	s12 =	sadd.s32 @!p0 $0x468, s1;
	s16 =	simm.s32 @!p0 $0x48;
	s17 =	simm.s32 @!p0 $0xB600  }
0xe9: {  	[tilespmem:s17], [sflag:$0x1] =	stream.indirect.gather @!p0 [hbm4b:s5+s16], $0x40, s12, s16, $0xb8;
	[tilespmem:$0x12C00] =	vst v63  }
0xea: {  	_ =	swait.ge [sflag:s25], $0x2000  }
0xeb: {  	[sflag:s25] =	ssyncset.done $0x0  }
0xec: {  	[sflag:s25] =	ssyncadd.s32 $0xFFFFE000  }
0xed: {  	_ =	swait.ge [sflag:s25], $0x1200  }
0xee: {  	[sflag:s25] =	ssyncset.done $0x0  }
0xef: {  	s12 =	simm.s32 $0x0;
	[sflag:s25] =	ssyncadd.s32 $0xFFFFEE00  }
0xf0: {  	v3 =	vld [tilespmem:s12+$0xFA50]  }
0xf1: {  	v1 =	vld [tilespmem:s12+$0x3270]  }
0xf2: {  	v2 =	vld [tilespmem:s12+$0xFA70]  }
0xf3: {  	v4 =	vld [tilespmem:s12+$0x3260]  }
0xf4: {  	v5 =	vld [tilespmem:s12+$0xFA60]  }
0xf5: {  	v6 =	vld [tilespmem:s12+$0x3250]  }
0xf6: {  	v0 =	vld [tilespmem:s12+$0xFA40]  }
0xf7: {  	v7 =	vld [tilespmem:s12+$0x3230]  }
0xf8: {  	v8 =	vld [tilespmem:s12+$0xFA30]  }
0xf9: {  	v2 =	vadd.f32 v1, v2;
	v1 =	vld [tilespmem:s12+$0x3220]  }
0xfa: {  	v5 =	vadd.f32 v4, v5;
	v4 =	vld [tilespmem:s12+$0x3210]  }
0xfb: {  	v6 =	vadd.f32 v6, v3;
	v3 =	vld [tilespmem:s12+$0x3200]  }
0xfc: {  	[tilespmem:s12+$0xFA70] =	vst v2;
	v2 =	vld [tilespmem:s12+$0xFA20]  }
0xfd: {  	[tilespmem:s12+$0xFA50] =	vst v6;
	v6 =	vld [tilespmem:s12+$0xFA10]  }
0xfe: {  	s16 =	simm.s32 $0x0;
	s17 =	simm.s32 $0x200;
	v7 =	vadd.f32 v7, v8;
	[tilespmem:s12+$0xFA60] =	vst v5;
	v5 =	vld [tilespmem:s12+$0x3240]  }
.LBB2_9:
0xff: {  	s19 =	sshra.s32 s17, $0x2;
	s16 =	sadd.s32 $0x2, s16;
	v8 =	vld [tilespmem:s12+$0xFA00]  }
0x100: {  	v9 =	vld [tilespmem:s19+$0xFA50];
	p1 =	slt.u32 s16, $0xC6  }
0x101: {  	v10 =	vld [tilespmem:s19+$0x3270]  }
0x102: {  	v11 =	vld [tilespmem:s19+$0xFA70];
	v4 =	vadd.f32 v4, v6;
	[tilespmem:s12+$0xFA30] =	vst v7  }
0x103: {  	v1 =	vadd.f32 v1, v2;
	v6 =	vld [tilespmem:s19+$0x3260];
	v0 =	vadd.f32 v5, v0  }
0x104: {  	v2 =	vld [tilespmem:s19+$0xFA60];
	v3 =	vadd.f32 v3, v8;
	[tilespmem:s12+$0xFA10] =	vst v4  }
0x105: {  	v4 =	vld [tilespmem:s19+$0x3250];
	[tilespmem:s12+$0xFA40] =	vst v0  }
0x106: {  	v0 =	vld [tilespmem:s19+$0xFA40];
	[tilespmem:s12+$0xFA20] =	vst v1  }
0x107: {  	v5 =	vld [tilespmem:s19+$0x3230];
	v7 =	vadd.f32 v10, v11;
	[tilespmem:s12+$0xFA00] =	vst v3;
	s12 =	smov.u32 s19  }
0x108: {  	v8 =	vld [tilespmem:s12+$0xFA30]  }
0x109: {  	v1 =	vld [tilespmem:s12+$0x3220];
	v3 =	vadd.f32 v6, v2;
	[tilespmem:s12+$0xFA70] =	vst v7  }
.Ltmp5:
0x10a: {  	v2 =	vld [tilespmem:s12+$0xFA20];
	v6 =	vadd.f32 v4, v9;
	(pc) =	sbr.rel @p1 .LBB2_9-.Ltmp5, $4  }
0x10b: {  	v4 =	vld [tilespmem:s12+$0x3210];
	[tilespmem:s12+$0xFA60] =	vst v3  }
0x10c: {  	v3 =	vld [tilespmem:s12+$0x3200];
	[tilespmem:s12+$0xFA50] =	vst v6  }
0x10d: {  	v6 =	vld [tilespmem:s12+$0xFA10];
	v7 =	vadd.f32 v5, v8  }
0x10e: {  	s17 =	sadd.s32 $0x200, s17;
	v5 =	vld [tilespmem:s12+$0x3240]  }
0x10f: {  	v8 =	vld [tilespmem:s12+$0xFA00];
	_ =	sdelay $0x1  }
0x110: {  	v1 =	vadd.f32 v1, v2  }
0x111: {  	[tilespmem:s12+$0xFA30] =	vst v7;
	v4 =	vadd.f32 v4, v6  }
0x112: {  	s0 =	sadd.s32 s4, s0;
	[tilespmem:s12+$0xFA20] =	vst v1;
	v0 =	vadd.f32 v5, v0  }
0x113: {  	s0 =	sshll.u32 s0, $0x3;
	[tilespmem:s12+$0xFA10] =	vst v4;
	v63 =	vadd.f32 v3, v8  }
0x114: {  	s0 =	sand.u32 $0x1FFFFFC0, s0;
	[tilespmem:s12+$0xFA40] =	vst v0  }
.Ltmp6:
0x115: {  	s0 =	sadd.s32 s2, s0;
	[tilespmem:s12+$0xFA00] =	vst v63;
	(pc) =	sbr.rel @p0 .LBB2_12-.Ltmp6, $4  }
0x116: {  	[hbm4b:s0+s3] =	stream.linear.scatter [tilespmem:s26], [sflag:$0x2], $0x3200, $0x38;
	[tilespmem:$0x12C00] =	vst v63  }
0x117: {  	_ =	swait.ge [sflag:s29], $0x3200  }
0x118: {  	[sflag:s29] =	ssyncset.done $0x0  }
0x119: {  	[sflag:s29] =	ssyncadd.s32 $0xFFFFCE00  }
.Ltmp7:
0x11a: {  	(pc) =	sbr.rel .LBB2_2-.Ltmp7, $4  }
0x11b: {  	s0 =	sadd.s32 $0x4B0, s1  }
0x11c: {  	[tilespmem:s22], [sflag:$0x1] =	stream.indirect.gather [hbm4b:s5+s13], $0x40, s0, s13, $0xb8;
	[tilespmem:$0x12C00] =	vst v63  }
0x11d: {  	s19 =	sadd.s32 $0x530, s1;
	s31 =	sadd.s32 $0x1, s31  }
0x11e: {  	[tilespmem:s24], [sflag:$0x1] =	stream.indirect.gather [hbm4b:s5+s15], $0x40, s19, s15, $0xb8;
	[tilespmem:$0x12C00] =	vst v63  }
.LBB2_13:
0x11f: {  	_ =	sfence.sel $0x180000  }
0x120: {  	[bflag:$0x0] =	sbarrier.arrive $0xFFFF  }
0x121: {  	_ =	strace $0x90000047  }
0x122: {  	s0 =	stileid.u32;
	[bflag:$0x2] =	sbarrier.arrive $0xFFFF  }
0x123: {  	p0 =	sne.s32 s0, $0x0;
	s0 =	rddreg [dreg:$0x3]  }
0x124: {  	s0 =	sadd.s32 @!p0 $0x100000, s0  }
0x125: {  	[sflag:s0] =	ssyncadd.tile.s32 @!p0 $0x1;
	_ =	shalt  }
.Lfunc_end2:
_tile_overlayer_lowered:
.L_overlay_start_2:
0x126: {  	(tag) =	ssettag $0x2  }
0x127: {  	s0 =	rddreg [dreg:$0x0];
	s2 =	stileid.u32  }
0x128: {  	s1 =	rddreg [dreg:$0x1];
	p0 =	sne.s32 s2, $0x0  }
0x129: {  	s3 =	rddreg [dreg:$0x2];
	[bflag:$0x3] =	sbarrier.arrive $0xFFFF;
	s2 =	simm.s32 @!p0 $0x1C03  }
0x12a: {  	[timem:s3], [sflag:s2] =	dma.local @!p0 [hbm:s0], s1  }
0x12b: {  	s0 =	simm.s32 @!p0 $0x3  }
0x12c: {  	_ =	swait.ge @!p0 [sflag:s0], s1  }
0x12d: {  	s1 =	ssub.s32 @!p0 $0x0, s1;
	[sflag:s0] =	ssyncset.done @!p0 $0x0  }
0x12e: {  	[sflag:s0] =	ssyncadd.s32 @!p0 s1  }
0x12f: {  	[bflag:$0x3] =	sbarrier.arrive $0xFFFF  }
0x130: {  	_ =	shalt  }

// kernel: sparse-core-data-format-call.cloned.1.call-start
scs
called_computation_lowered:
.L_overlay_start_0:
0x0: {  	s2 =	sld [smem:$0x3FD9]  }
0x1: {  	s3 =	sld [smem:$0x3FFE];
	_ =	sdelay $0x1  }
0x2: {  	s1 =	srdreg.scid  }
0x3: {  	s0 =	sand.u32 $0x1, s1  }
0x4: {  	s18 =	sshll.u32 s0, $0xA;
	s2 =	sadd.s32 s3, s2  }
0x5: {  	s2 =	sadd.s32 s2, s18  }
0x6: {  	[smem:$0x3FC5] =	sst s2  }
0x7: {  	_ = 	snop  }
0x8: {  	s2 =	sld [smem:$0x3FD0];
	(tm) =	ssettm $0x1  }
0x9: {  	s19 =	sld [smem:$0x3FFB];
	_ =	sdelay $0x3  }
0xa: {  	_ =	strace s19  }
0xb: {  	s3 =	sld [smem:$0x3FFC];
	_ =	sdelay $0x3  }
0xc: {  	_ =	strace s3  }
0xd: {  	s3 =	sld [smem:$0x3FFD];
	_ =	sdelay $0x3  }
0xe: {  	_ =	strace s3  }
0xf: {  	_ =	strace $0x8FFFFFFF  }
0x10: {  	s20 =	sld [smem:$0x3FDB];
	_ =	sdelay $0x1  }
0x11: {  	s4 =	simm.s32 $_scs_section_size  }
0x12: {  	s5 =	simm.s32 $_size__tile_overlayer_lowered;
	s6 =	simm.s32 $_tile_overlayer_lowered  }
0x13: {  	s23 =	simm.s32 $0x1BFF;
	s22 =	sshll.u32 s6, $0x1;
	s3 =	sadd.s32 s4, s20  }
0x14: {  	s7 =	simm.s32 $0x0;
	s21 =	sshll.u32 s5, $0x1;
	s5 =	sadd.s32 s22, s3  }
0x15: {  	[timem:s7], [sflag:s23] =	dma.local [hbm:s5], s21  }
0x16: {  	_ =	swait.ge [sflag:s23], s21  }
0x17: {  	s4 =	ssub.s32 $0x0, s21;
	[sflag:s23] =	ssyncset.done $0x0  }
0x18: {  	[sflag:s23] =	ssyncadd.s32 s4;
	_ =	sdelay $0x1  }
0x19: {  	s24 =	simm.s32 $0x1B8B  }
0x1a: {  	_ =	swait.ge [sflag:s24], $0x1  }
0x1b: {  	[sflag:s24] =	ssyncset.done $0x0  }
0x1c: {  	s26 =	simm.s32 $0x1B8E;
	s25 =	sld [smem:$0x3FFE];
	[sflag:s24] =	ssyncadd.s32 $0xFFFFFFFF  }
0x1d: {  	s27 =	simm.s32 $execute0_lowered;
	[smem:$0x3FD2] =	sst s26  }
0x1e: {  	s5 =	sshll.u32 s27, $0x1;
	_ =	strace $0x80000049;
	[dreg:$0x1] =	wrdreg $0xFFFFFFFF  }
0x1f: {  	s28 =	simm.s32 $_size_execute0_lowered;
	s3 =	sadd.s32 s3, s5;
	[dreg:$0x0] =	wrdreg $0x0  }
0x20: {  	s5 =	sshll.u32 s28, $0x1;
	[dreg:$0x2] =	wrdreg s3  }
0x21: {  	[dreg:$0x3] =	wrdreg s5  }
0x22: {  	[dreg:$0x4] =	wrdreg $0xC0  }
0x23: {  	_ =	task [dreg:s7], $0x5FFFF  }
0x24: {  	[dreg:$0x1] =	wrdreg $0xFFFFFFFF  }
0x25: {  	[dreg:$0x0] =	wrdreg $0x60  }
0x26: {  	[dreg:$0x2] =	wrdreg s25  }
0x27: {  	[dreg:$0x3] =	wrdreg s2  }
0x28: {  	[dreg:$0x4] =	wrdreg $0x9  }
0x29: {  	_ =	task.clear_ibuf [dreg:s7], $0x5FFFF;
	_ =	strace $0x90000049  }
0x2a: {  	s29 =	simm.s32 $0x9;
	_ =	strace $0x8000004B  }
0x2b: {  	_ =	swait.ge [sflag:s29], $0x1  }
0x2c: {  	[sflag:s29] =	ssyncadd.s32 $0xFFFFFFFF  }
0x2d: {  	_ =	strace $0x9000004B  }
0x2e: {  	_ =	sfence  }
0x2f: {  	s30 =	sld [smem:$0x0];
	_ =	sdelay $0x2  }
0x30: {  	s31 =	sshll.u32 s1, $0xD;
	s1 =	sshrl.u32 s1, $0x2  }
0x31: {  	s3 =	sand.u32 $0x4000, s31;
	s1 =	sadd.s32 s1, s30  }
0x32: {  	s0 =	sor.u32 s3, s0;
	s1 =	sshll.u32 s1, $0x11  }
0x33: {  	s0 =	sor.u32 s1, s0  }
0x34: {  	s0 =	sadd.s32 $0x8F2B, s0  }
0x35: {  	[sflag:s0] =	ssyncadd.remote.s32 $0x1  }
0x36: {  	_ =	sfence.sel $0xFFFF  }
0x37: {  	[dreg:$0x0] =	wrdreg $0xFFFFFFFF;
	(pc) =	sbr.abs _section_cstart, $3  }
0x38: {  	[dreg:$0x1] =	wrdreg $0xFFFFFFFF  }
0x39: {  	_ =	task.clear_ibuf [dreg:s7], $0x2FFFF;
	_ =	strace $0x9FFFFFFF  }
0x3a: {  	(tm) =	ssettm $0x7FFFFFFF  }
0x3b: {  	_ =	shalt  }
tec
execute0_lowered:
.L_overlay_start_1:
0x0: {  	(tag) =	ssettag $0x1  }
0x1: {  	s0 =	srdreg.scid  }
0x2: {  	s1 =	sshll.u32 s0, $0x4  }
0x3: {  	s4 =	rddreg [dreg:$0x0];
	s0 =	stileid.u32;
	s1 =	sand.u32 $0x10, s1  }
0x4: {  	s2 =	rddreg [dreg:$0x1];
	s7 =	simm.s32 $0x1;
	s1 =	sor.u32 s0, s1  }
0x5: {  	s8 =	simm.s32 $0x2;
	s11 =	simm.s32 $0x0;
	s3 =	sshll.u32 s1, $0x7  }
0x6: {  	s10 =	simm.s32 $0x0;
	s4 =	sadd.s32 $0xA00, s4;
	s6 =	ssub.s32 $0x64000, s3  }
.Ltmp0:
0x7: {  	s1 =	rddreg [dreg:$0x2];
	s5 =	sand.u32 $0xF80, s6;
	(pc) =	sbr.rel .LBB1_1-.Ltmp0, $4  }
0x8: {  	_ =	strace $0x8000004A;
	s9 =	smov.u32 s3;
	p0 =	sne.s32 s5, $0x0  }
0x9: {  	s6 =	sshrl.u32 s6, $0xC;
	s5 =	simm.s32 $0x1;
	s7 =	simm.s32 @!p0 $0x0  }
0xa: {  	[sflag:s5] =	ssyncpa.u1 $0x0;
	p0 =	por $0x0, $0x0;
	s6 =	sadd.s32 s7, s6  }
0xb: {  	[sflag:s8] =	ssyncpa.u1 $0x0;
	s8 =	simm.s32 $0x320000;
	s7 =	sadd.s32 $0x1, s6  }
.LBB1_4:
0xc: {  	s14 =	sshll.u32 s11, $0x3  }
0xd: {  	s30 =	sand.u32 $0x7F, s11;
	s15 =	sand.u32 $0xFFFFFC00, s14  }
0xe: {  	s11 =	sor.u32 s30, s15  }
0xf: {  	s15 =	smulhi.u32 $0x51EB851F, s11  }
0x10: {  	s14 =	smulhi.u32 $0x51EB851F, s14  }
0x11: {  	s15 =	sshrl.u32 s15, $0x11  }
0x12: {  	s14 =	sshrl.u32 s14, $0x11;
	s15 =	smul.u32 $0x64000, s15  }
0x13: {  	s14 =	sand.u32 $0x3F, s14  }
0x14: {  	s14 =	smul.u32 $0xC800, s14;
	s11 =	ssub.s32 s11, s15  }
0x15: {  	[tilespmem:s13+$0x810 ss:$0x81] =	vst.msk $0xffff, v2;
	s15 =	sand.u32 $0x7, s11  }
0x16: {  	[tilespmem:s13+$0x1020 ss:$0x81] =	vst.msk $0xffff, v0;
	s14 =	sadd.s32 s2, s14;
	s11 =	sshrl.u32 s11, $0x3;
	s15 =	sshll.u32 s15, $0x12  }
0x17: {  	[tilespmem:s13+$0x0 ss:$0x81] =	vst.msk $0xffff, v1;
	s11 =	sadd.s32 s11, s14;
	s31 =	sor.u32 $0x400, s15  }
0x18: {  	[hbm4b:s11+s31] =	stream.strided.scatter [tilespmem:s12], [sflag:$0x2], $0x2000, s8, s31, $0x20;
	[tilespmem:$0x8080] =	vst v63  }
.LBB1_5:
0x19: {  	s13 =	sadd.s32 $0x1000, s9  }
0x1a: {  	p2 =	sgt.s32 s13, $0x63FFF  }
0x1b: {  	s13 =	smov.u32 @p2 s3;
	p2 =	sne.s32 s10, s7  }
.Ltmp1:
0x1c: {  	p1 =	slt.u32 s10, $0x2;
	(pc) =	sbr.rel @!p2 .LBB1_6-.Ltmp1, $4  }
0x1d: {  	s12 =	simm.s32 @!p1 $0x2  }
0x1e: {  	s14 =	sadd.s32 $0x1, s10;
	_ =	swait.ge @!p1 [sflag:s12], $0x2000  }
0x1f: {  	s11 =	smov.u32 s9;
	p0 =	por !p0, !p0;
	[sflag:s12] =	ssyncset.done @!p1 $0x0  }
0x20: {  	s10 =	smov.u32 s14;
	s9 =	smov.u32 s13;
	[sflag:s12] =	ssyncadd.s32 @!p1 $0xFFFFE000  }
.LBB1_1:
0x21: {  	p1 =	sge.u32 s10, s6  }
0x22: {  	s12 =	sand.u32 @!p1 $0x1FFFFFF, s9  }
0x23: {  	s13 =	smulhi.u32 @!p1 $0x147AE15, s12;
	_ =	sdelay $0x1  }
0x24: {  	s13 =	sshrl.u32 @!p1 s13, $0xB  }
0x25: {  	s13 =	smul.u32 @!p1 $0x64000, s13;
	_ =	sdelay $0x1  }
0x26: {  	s31 =	sadd.s32 $0xFFFFFFFF, s10;
	s14 =	sxor.u32 @!p1 $0xFFFFFFFF, s10;
	s12 =	ssub.s32 @!p1 s12, s13  }
0x27: {  	s15 =	simm.s32 @!p1 $0x80;
	s14 =	sshll.u32 @!p1 s14, $0xD;
	s12 =	sshll.u32 @!p1 s12, $0x4  }
0x28: {  	s13 =	sand.u32 @!p1 $0x2000, s14;
	s14 =	simm.s32 @!p1 $0x40;
	s12 =	sadd.s32 @!p1 s4, s12  }
0x29: {  	[tilespmem:s13], [sflag:$0x1] =	stream.strided.gather @!p1 [hbm4b:s12+s14], $0x2000, s15, s14, $0x38;
	[tilespmem:$0x8080] =	vst v63  }
0x2a: {  	p1 =	sge.u32 s31, s6  }
.Ltmp2:
0x2b: {  	_ = 	snop;
	(pc) =	sbr.rel @p1 .LBB1_5-.Ltmp2, $1  }
0x2c: {  	_ =	sdelay $0x3  }
0x2d: {  	s12 =	simm.s32 $0x1  }
0x2e: {  	_ =	swait.ge [sflag:s5], $0x2000;
	s12 =	simm.s32 @!p0 $0x0  }
0x2f: {  	[sflag:s5] =	ssyncset.done $0x0;
	s13 =	sshll.u32 s12, $0xD  }
0x30: {  	[sflag:s5] =	ssyncadd.s32 $0xFFFFE000;
	s16 =	sor.u32 $0x20, s13  }
0x31: {  	s12 =	smul.u32 $0x8100, s12;
	v3 =	vld [tilespmem:s16+$0x10]  }
0x32: {  	s30 =	sand.u32 $0x1, s10;
	v2 =	vld [tilespmem:s16+$0xFFFFFFF0]  }
0x33: {  	s13 =	smul.u32 $0x8100, s30;
	s12 =	sshrl.u32 s12, $0x2;
	v0 =	vld [tilespmem:s16+$0x0]  }
0x34: {  	v1 =	vld [tilespmem:s16+$0xFFFFFFE0];
	s14 =	sor.u32 $0x4000, s12  }
0x35: {  	s31 =	sshrl.u32 s13, $0x2;
	s13 =	sadd.s32 $0x0, s14  }
0x36: {  	s15 =	simm.s32 $0x4;
	s16 =	sadd.s32 $0x40, s16;
	s12 =	sor.u32 $0x4000, s31;
	[tilespmem:s13+$0x1830 ss:$0x81] =	vst.msk $0xffff, v3  }
.LBB1_3:
0x37: {  	v3 =	vld [tilespmem:s16+$0x10];
	p1 =	sne.s32 s15, $0x1FC;
	[tilespmem:s13+$0x810 ss:$0x81] =	vst.msk $0xffff, v2;
	s17 =	smov.u32 s15;
	s15 =	sadd.s32 $0x4, s15  }
.Ltmp3:
0x38: {  	v2 =	vld [tilespmem:s16+$0xFFFFFFF0];
	[tilespmem:s13+$0x1020 ss:$0x81] =	vst.msk $0xffff, v0;
	(pc) =	sbr.rel @p1 .LBB1_3-.Ltmp3, $4  }
0x39: {  	v0 =	vld [tilespmem:s16+$0x0];
	[tilespmem:s13+$0x0 ss:$0x81] =	vst.msk $0xffff, v1  }
0x3a: {  	s13 =	sshra.s32 s17, $0x2;
	v1 =	vld [tilespmem:s16+$0xFFFFFFE0]  }
0x3b: {  	s13 =	sadd.s32 s13, s14  }
0x3c: {  	s16 =	sadd.s32 $0x40, s16;
	[tilespmem:s13+$0x1830 ss:$0x81] =	vst.msk $0xffff, v3  }
.Ltmp4:
0x3d: {  	_ = 	snop;
	(pc) =	sbr.rel .LBB1_4-.Ltmp4, $1  }
0x3e: {  	_ =	sdelay $0x3  }
.LBB1_6:
0x3f: {  	_ =	sfence.sel $0x180000  }
0x40: {  	s2 =	simm.s32 $0x1;
	[bflag:$0x0] =	sbarrier.arrive $0xFFFF  }
0x41: {  	s31 =	simm.s32 $0x2;
	[sflag:s2] =	ssyncpa.u1 $0x1  }
0x42: {  	[sflag:s31] =	ssyncpa.u1 $0x1  }
0x43: {  	p0 =	sne.s32 s0, $0x0;
	_ =	strace $0x9000004A  }
0x44: {  	s0 =	sadd.s32 @!p0 $0x100000, s1;
	[bflag:$0x2] =	sbarrier.arrive $0xFFFF  }
0x45: {  	[sflag:s0] =	ssyncadd.tile.s32 @!p0 $0x1;
	_ =	shalt  }
.Lfunc_end1:
_tile_overlayer_lowered:
.L_overlay_start_2:
0x46: {  	(tag) =	ssettag $0x2  }
0x47: {  	s0 =	rddreg [dreg:$0x0];
	s2 =	stileid.u32  }
0x48: {  	s1 =	rddreg [dreg:$0x1];
	p0 =	sne.s32 s2, $0x0  }
0x49: {  	s3 =	rddreg [dreg:$0x2];
	[bflag:$0x3] =	sbarrier.arrive $0xFFFF;
	s2 =	simm.s32 @!p0 $0x1C01  }
0x4a: {  	[timem:s3], [sflag:s2] =	dma.local @!p0 [hbm:s0], s1  }
0x4b: {  	s0 =	simm.s32 @!p0 $0x1  }
0x4c: {  	_ =	swait.ge @!p0 [sflag:s0], s1  }
0x4d: {  	s1 =	ssub.s32 @!p0 $0x0, s1;
	[sflag:s0] =	ssyncset.done @!p0 $0x0  }
0x4e: {  	[sflag:s0] =	ssyncadd.s32 @!p0 s1  }
0x4f: {  	[bflag:$0x3] =	sbarrier.arrive $0xFFFF  }
0x50: {  	_ =	shalt  }

</sc_bundles>
